<compile_context>
chip_gen: v7x
topology: tpu7x:2x2x1
jax: 0.10.2.dev20260603
libtpu: 0.0.44.dev20260713+nightly
codegen_flags: <defaults>
</compile_context>

<pallas_src>
import functools

import jax
import jax.numpy as jnp
from jax import lax
from jax.experimental import pallas as pl
from jax.experimental.pallas import tpu as pltpu
from jax.experimental.pallas import tpu_sc as plsc

N, D, E = 10000, 128, 320000
NC, NS = 2, 16
NW = NC * NS
CHUNK = 40
PER_W = E // NW
NCHUNK = PER_W // CHUNK
SUP = 2
SUP_SH = 1
NSUP = NCHUNK // SUP
NBUF = 3
N_PAD = 10112
ROWS_PER_SUB = N_PAD // NS

BLK = 2000


def _sc_aggregate(h, edges):
    mesh = plsc.VectorSubcoreMesh(core_axis_name="c", subcore_axis_name="s")

    @functools.partial(
        pl.kernel,
        out_type=jax.ShapeDtypeStruct((NC, N_PAD, D), jnp.float32),
        mesh=mesh,
        scratch_types=[
            pltpu.VMEM_SHARED((N_PAD, D), jnp.float32),
            pltpu.VMEM((NBUF, SUP, CHUNK), jnp.int32),
            pltpu.VMEM((NBUF, SUP, CHUNK), jnp.int32),
            pltpu.VMEM((NBUF, CHUNK, D), jnp.float32),
            pltpu.SemaphoreType.DMA((NBUF,)),
            pltpu.SemaphoreType.DMA((NBUF,)),
        ],
    )
    def k(h_hbm, e_hbm, out_hbm, agg_sh, src_v, dst_v, rows, gsem, isem):
        c = lax.axis_index("c")
        s = lax.axis_index("s")
        row0 = s * ROWS_PER_SUB

        def start_idx(u, up):
            pltpu.async_copy(e_hbm.at[0, c, s, u], src_v.at[up], isem.at[up])
            pltpu.async_copy(e_hbm.at[1, c, s, u], dst_v.at[up], isem.at[up])

        def wait_idx(u, up):
            pltpu.make_async_copy(e_hbm.at[0, c, s, u], src_v.at[up],
                                  isem.at[up]).wait()
            pltpu.make_async_copy(e_hbm.at[1, c, s, u], dst_v.at[up],
                                  isem.at[up]).wait()

        @pl.loop(0, 2)
        def _(u):
            start_idx(u, u % NBUF)

        @pl.loop(0, NBUF * CHUNK)
        def _(r):
            @pl.loop(0, D // 16)
            def _(c16):
                rows[r // CHUNK, r % CHUNK, pl.ds(c16 * 16, 16)] = (
                    jnp.zeros((16,), jnp.float32))

        @pl.loop(0, ROWS_PER_SUB // CHUNK)
        def _(i):
            pltpu.sync_copy(rows.at[0],
                            agg_sh.at[pl.ds(row0 + i * CHUNK, CHUNK)])

        @pl.when((ROWS_PER_SUB % CHUNK) > 0)
        def _():
            rem = ROWS_PER_SUB % CHUNK
            pltpu.sync_copy(
                rows.at[0, pl.ds(0, rem)],
                agg_sh.at[pl.ds(row0 + (ROWS_PER_SUB // CHUNK) * CHUNK, rem)])

        plsc.subcore_barrier()

        @pl.loop(0, NCHUNK + 2)
        def _(j):
            u = j >> SUP_SH
            jj = j & (SUP - 1)

            @pl.when(j < NCHUNK)
            def _():
                up = u % NBUF

                @pl.when(jj == 0)
                def _():
                    wait_idx(u, up)

                pltpu.async_copy(h_hbm.at[src_v.at[up, jj]],
                                 rows.at[j % NBUF], gsem.at[j % NBUF])

            @pl.when(j >= 2)
            def _():
                k2 = j - 2
                uk = k2 >> SUP_SH
                kk = k2 & (SUP - 1)
                ukp = uk % NBUF
                p = k2 % NBUF
                pltpu.make_async_copy(h_hbm.at[src_v.at[ukp, kk]],
                                      rows.at[p], gsem.at[p]).wait()
                pltpu.sync_copy(rows.at[p], agg_sh.at[dst_v.at[ukp, kk]],
                                add=True)

            @pl.when(jnp.logical_and(j < NCHUNK,
                                     jnp.logical_and(jj == SUP - 1,
                                                     u + 2 < NSUP)))
            def _():
                start_idx(u + 2, (u + 2) % NBUF)

        plsc.subcore_barrier()
        pltpu.sync_copy(agg_sh.at[pl.ds(row0, ROWS_PER_SUB)],
                        out_hbm.at[c, pl.ds(row0, ROWS_PER_SUB)])

    return k(h, edges)


def _tc_body(eps_ref, h_ref, p_ref, w1_ref, b1_ref, w2_ref, b2_ref,
             g_ref, be_ref, o_ref):
    x = h_ref[...]
    gin = (1.0 + eps_ref[0, 0]) * x + p_ref[0] + p_ref[1]
    hid = jnp.dot(gin, w1_ref[...], preferred_element_type=jnp.float32)
    hid = jnp.maximum(hid + b1_ref[...], 0.0)
    y = jnp.dot(hid, w2_ref[...], preferred_element_type=jnp.float32)
    y = y + b2_ref[...] + x
    mu = jnp.mean(y, axis=1, keepdims=True)
    yc = y - mu
    var = jnp.mean(yc * yc, axis=1, keepdims=True)
    ynorm = yc * lax.rsqrt(var + 1e-5)
    o_ref[...] = jnp.maximum(ynorm * g_ref[...] + be_ref[...], 0.0)


def _tc_mlp(eps_arr, h, partial, W1, b1, W2, b2, gamma, beta):
    full = lambda shape: pl.BlockSpec(shape, lambda i: tuple(0 for _ in shape))
    return pl.pallas_call(
        _tc_body,
        grid=(N // BLK,),
        in_specs=[
            full((1, 1)),
            pl.BlockSpec((BLK, D), lambda i: (i, 0)),
            pl.BlockSpec((NC, BLK, D), lambda i: (0, i, 0)),
            full((D, D)),
            full((1, D)),
            full((D, D)),
            full((1, D)),
            full((1, D)),
            full((1, D)),
        ],
        out_specs=pl.BlockSpec((BLK, D), lambda i: (i, 0)),
        out_shape=jax.ShapeDtypeStruct((N, D), jnp.float32),
    )(eps_arr, h, partial, W1, b1, W2, b2, gamma, beta)


def kernel(h, edge_index, eps, W1, b1, W2, b2, gamma, beta):
    edges = edge_index.astype(jnp.int32).reshape(2, NC, NS, NSUP, SUP, CHUNK)
    partial = _sc_aggregate(h, edges)
    eps_arr = eps.astype(jnp.float32).reshape(1, 1)
    return _tc_mlp(eps_arr, h, partial, W1,
                   b1.reshape(1, D), W2, b2.reshape(1, D),
                   gamma.reshape(1, D), beta.reshape(1, D))

# --- scband reference (transcript-rebuilt; emitter-appended) ---
"""Pipeline reference for scband-ginlayer-6700148981977 (READ-ONLY COPY).

The authoritative reference and input builder live on the scoring server;
editing this copy changes nothing except your own understanding.
"""

import jax, jax.numpy as jnp
import numpy as np

N, D, E = 10000, 128, 320000

def setup_inputs(seed: int = 0) -> dict:
    key = jax.random.key(seed)
    ks = jax.random.split(key, 8)
    h = jax.random.normal(ks[0], (N, D), dtype=jnp.float32)
    edge_index = jax.random.randint(ks[1], (2, E), 0, N)
    s = 1.0 / np.sqrt(D)
    W1 = jax.random.uniform(ks[2], (D, D), minval=-s, maxval=s, dtype=jnp.float32)
    b1 = jax.random.uniform(ks[3], (D,), minval=-s, maxval=s, dtype=jnp.float32)
    W2 = jax.random.uniform(ks[4], (D, D), minval=-s, maxval=s, dtype=jnp.float32)
    b2 = jax.random.uniform(ks[5], (D,), minval=-s, maxval=s, dtype=jnp.float32)
    eps = jnp.zeros((), dtype=jnp.float32)  # train_eps=True, init 0
    gamma = jnp.ones((D,), dtype=jnp.float32)
    beta = jnp.zeros((D,), dtype=jnp.float32)
    return {"h": h, "edge_index": edge_index, "eps": eps, "W1": W1, "b1": b1, "W2": W2, "b2": b2, "gamma": gamma, "beta": beta}

def reference(h, edge_index, eps, W1, b1, W2, b2, gamma, beta):
    src = edge_index[0]
    dst = edge_index[1]
    # GINConv: sum-aggregate neighbor messages (gather + scatter-add)
    msgs = jnp.take(h, src, axis=0)
    agg = jax.ops.segment_sum(msgs, dst, num_segments=h.shape[0])
    gin_in = (1.0 + eps) * h + agg
    # MLP: Linear -> ReLU -> Linear
    hid = jnp.maximum(gin_in @ W1 + b1, 0.0)
    h_conv = hid @ W2 + b2
    # residual
    h_res = h_conv + h
    # LayerNorm
    mu = jnp.mean(h_res, axis=-1, keepdims=True)
    var = jnp.var(h_res, axis=-1, keepdims=True)
    h_norm = (h_res - mu) / jnp.sqrt(var + 1e-5)
    h_out = h_norm * gamma + beta
    # ReLU (dropout is identity in eval mode)
    return jnp.maximum(h_out, 0.0)

if __name__ == "__main__":
    import jax
    _d = setup_inputs()
    print(jax.jit(kernel)(*tuple(_d.values())))

</pallas_src>

<mosaic_0001>
#map = affine_map<(d0, d1) -> (0, 0)>
#map1 = affine_map<(d0, d1) -> (0, 0, 0, 0, 0, 0)>
#map2 = affine_map<(d0, d1) -> (0, 0, 0)>
module attributes {stable_mosaic.version = 14 : i64} {
  func.func @k(%arg0: i32, %arg1: i32, %arg2: memref<10000x128xf32, #tpu.memory_space<hbm>>, %arg3: memref<2x2x16x125x2x40xi32, #tpu.memory_space<hbm>>, %arg4: memref<2x10112x128xf32, #tpu.memory_space<hbm>>, %arg5: memref<10112x128xf32, #tpu.memory_space<vmem_shared>>, %arg6: memref<3x2x40xi32, #tpu.memory_space<vmem>>, %arg7: memref<3x2x40xi32, #tpu.memory_space<vmem>>, %arg8: memref<3x40x128xf32, #tpu.memory_space<vmem>>, %arg9: memref<3x!tpu.dma_semaphore, #tpu.memory_space<semaphore_mem>>, %arg10: memref<3x!tpu.dma_semaphore, #tpu.memory_space<semaphore_mem>>) attributes {dimension_semantics = [#tpu.dimension_semantics<core_parallel>, #tpu.dimension_semantics<subcore_parallel>], iteration_bounds = array<i64: 2, 16>, scalar_prefetch = 0 : i64, scratch_operands = 6 : i64, tpu.core_type = #tpu.core_type<sc_vector_subcore>, window_params = [{transform_indices = #map}, {transform_indices = #map1}, {transform_indices = #map2}]} {
    %mul3A = arith.constant 632 : i32
    %mul3A_0 = arith.muli %arg1, %mul3A : i32
    %scan3A = arith.constant 0 : i32
    %scan3A_1 = arith.constant 2 : i32
    %scan3A_2 = arith.addi %scan3A, %scan3A_1 : i32
    %scan3A_3 = arith.constant 1 : i32
    scf.for %scan3A_22 = %scan3A to %scan3A_2 step %scan3A_3  : i32 {
      %mul3A_23 = arith.constant 1 : i32
      %mul3A_24 = arith.muli %scan3A_22, %mul3A_23 : i32
      %add3A_25 = arith.constant 0 : i32
      %add3A_26 = arith.addi %add3A_25, %mul3A_24 : i32
      %jit3A = arith.constant 3 : i32
      %eq3A = arith.constant 0 : i32
      %eq3A_27 = arith.cmpi eq, %jit3A, %eq3A : i32
      %jit3A_28 = arith.constant 1 : i32
      %select_n3A = arith.select %eq3A_27, %jit3A_28, %jit3A : i32
      %rem3A = arith.remsi %add3A_26, %select_n3A : i32
      %ne3A = arith.constant 0 : i32
      %ne3A_29 = arith.cmpi ne, %rem3A, %ne3A : i32
      %lt3A = arith.constant 0 : i32
      %lt3A_30 = arith.cmpi slt, %rem3A, %lt3A : i32
      %lt3A_31 = arith.constant 0 : i32
      %lt3A_32 = arith.cmpi slt, %select_n3A, %lt3A_31 : i32
      %ne3A_33 = arith.xori %lt3A_30, %lt3A_32 : i1
      %and3A = arith.andi %ne3A_33, %ne3A_29 : i1
      %add3A_34 = arith.addi %rem3A, %select_n3A : i32
      %select_n3A_35 = arith.select %and3A, %add3A_34, %rem3A : i32
      %dma_start3A = arith.constant 0 : i32
      %dma_start3A_36 = arith.constant 0 : i32
      %dma_start3A_37 = arith.constant 0 : i32
      %dma_start3A_38 = tpu.memref_slice %arg6[%select_n3A_35, %dma_start3A_36, %dma_start3A_37] : memref<3x2x40xi32, #tpu.memory_space<vmem>> -> memref<1x2x40xi32, #tpu.memory_space<vmem>>
      %dma_start3A_39 = tpu.memref_squeeze %dma_start3A_38 : memref<1x2x40xi32, #tpu.memory_space<vmem>> -> memref<2x40xi32, #tpu.memory_space<vmem>>
      %dma_start3A_40 = arith.constant 0 : i32
      %dma_start3A_41 = arith.constant 0 : i32
      %dma_start3A_42 = tpu.memref_slice %arg3[%dma_start3A, %arg0, %arg1, %add3A_26, %dma_start3A_40, %dma_start3A_41] : memref<2x2x16x125x2x40xi32, #tpu.memory_space<hbm>> -> memref<1x1x1x1x2x40xi32, #tpu.memory_space<hbm>>
      %dma_start3A_43 = tpu.memref_squeeze %dma_start3A_42 : memref<1x1x1x1x2x40xi32, #tpu.memory_space<hbm>> -> memref<2x40xi32, #tpu.memory_space<hbm>>
      %dma_start3A_44 = tpu.memref_slice %arg10[%select_n3A_35] : memref<3x!tpu.dma_semaphore, #tpu.memory_space<semaphore_mem>> -> memref<1x!tpu.dma_semaphore, #tpu.memory_space<semaphore_mem>>
      %dma_start3A_45 = tpu.memref_squeeze %dma_start3A_44 : memref<1x!tpu.dma_semaphore, #tpu.memory_space<semaphore_mem>> -> memref<!tpu.dma_semaphore, #tpu.memory_space<semaphore_mem>>
      %dma_start3A_46 = arith.constant 0 : i32
      %dma_start3A_47 = arith.constant 0 : i32
      %dma_start3A_48 = tpu.memref_slice %arg6[%select_n3A_35, %dma_start3A_46, %dma_start3A_47] : memref<3x2x40xi32, #tpu.memory_space<vmem>> -> memref<1x2x40xi32, #tpu.memory_space<vmem>>
      %dma_start3A_49 = tpu.memref_squeeze %dma_start3A_48 : memref<1x2x40xi32, #tpu.memory_space<vmem>> -> memref<2x40xi32, #tpu.memory_space<vmem>>
      %dma_start3A_50 = arith.constant 0 : i32
      %dma_start3A_51 = arith.constant 0 : i32
      %dma_start3A_52 = tpu.memref_slice %arg3[%dma_start3A, %arg0, %arg1, %add3A_26, %dma_start3A_50, %dma_start3A_51] : memref<2x2x16x125x2x40xi32, #tpu.memory_space<hbm>> -> memref<1x1x1x1x2x40xi32, #tpu.memory_space<hbm>>
      %dma_start3A_53 = tpu.memref_squeeze %dma_start3A_52 : memref<1x1x1x1x2x40xi32, #tpu.memory_space<hbm>> -> memref<2x40xi32, #tpu.memory_space<hbm>>
      tpu.enqueue_dma source(%dma_start3A_53 : memref<2x40xi32, #tpu.memory_space<hbm>>) target(%dma_start3A_49 : memref<2x40xi32, #tpu.memory_space<vmem>>) target_semaphore(%dma_start3A_45 : memref<!tpu.dma_semaphore, #tpu.memory_space<semaphore_mem>>)
      %dma_start3A_54 = arith.constant 1 : i32
      %dma_start3A_55 = arith.constant 0 : i32
      %dma_start3A_56 = arith.constant 0 : i32
      %dma_start3A_57 = tpu.memref_slice %arg7[%select_n3A_35, %dma_start3A_55, %dma_start3A_56] : memref<3x2x40xi32, #tpu.memory_space<vmem>> -> memref<1x2x40xi32, #tpu.memory_space<vmem>>
      %dma_start3A_58 = tpu.memref_squeeze %dma_start3A_57 : memref<1x2x40xi32, #tpu.memory_space<vmem>> -> memref<2x40xi32, #tpu.memory_space<vmem>>
      %dma_start3A_59 = arith.constant 0 : i32
      %dma_start3A_60 = arith.constant 0 : i32
      %dma_start3A_61 = tpu.memref_slice %arg3[%dma_start3A_54, %arg0, %arg1, %add3A_26, %dma_start3A_59, %dma_start3A_60] : memref<2x2x16x125x2x40xi32, #tpu.memory_space<hbm>> -> memref<1x1x1x1x2x40xi32, #tpu.memory_space<hbm>>
      %dma_start3A_62 = tpu.memref_squeeze %dma_start3A_61 : memref<1x1x1x1x2x40xi32, #tpu.memory_space<hbm>> -> memref<2x40xi32, #tpu.memory_space<hbm>>
      %dma_start3A_63 = tpu.memref_slice %arg10[%select_n3A_35] : memref<3x!tpu.dma_semaphore, #tpu.memory_space<semaphore_mem>> -> memref<1x!tpu.dma_semaphore, #tpu.memory_space<semaphore_mem>>
      %dma_start3A_64 = tpu.memref_squeeze %dma_start3A_63 : memref<1x!tpu.dma_semaphore, #tpu.memory_space<semaphore_mem>> -> memref<!tpu.dma_semaphore, #tpu.memory_space<semaphore_mem>>
      %dma_start3A_65 = arith.constant 0 : i32
      %dma_start3A_66 = arith.constant 0 : i32
      %dma_start3A_67 = tpu.memref_slice %arg7[%select_n3A_35, %dma_start3A_65, %dma_start3A_66] : memref<3x2x40xi32, #tpu.memory_space<vmem>> -> memref<1x2x40xi32, #tpu.memory_space<vmem>>
      %dma_start3A_68 = tpu.memref_squeeze %dma_start3A_67 : memref<1x2x40xi32, #tpu.memory_space<vmem>> -> memref<2x40xi32, #tpu.memory_space<vmem>>
      %dma_start3A_69 = arith.constant 0 : i32
      %dma_start3A_70 = arith.constant 0 : i32
      %dma_start3A_71 = tpu.memref_slice %arg3[%dma_start3A_54, %arg0, %arg1, %add3A_26, %dma_start3A_69, %dma_start3A_70] : memref<2x2x16x125x2x40xi32, #tpu.memory_space<hbm>> -> memref<1x1x1x1x2x40xi32, #tpu.memory_space<hbm>>
      %dma_start3A_72 = tpu.memref_squeeze %dma_start3A_71 : memref<1x1x1x1x2x40xi32, #tpu.memory_space<hbm>> -> memref<2x40xi32, #tpu.memory_space<hbm>>
      tpu.enqueue_dma source(%dma_start3A_72 : memref<2x40xi32, #tpu.memory_space<hbm>>) target(%dma_start3A_68 : memref<2x40xi32, #tpu.memory_space<vmem>>) target_semaphore(%dma_start3A_64 : memref<!tpu.dma_semaphore, #tpu.memory_space<semaphore_mem>>)
    }
    %scan3A_4 = arith.constant 2 : i32
    %scan3A_5 = arith.constant 0 : i32
    %scan3A_6 = arith.constant 120 : i32
    %scan3A_7 = arith.addi %scan3A_5, %scan3A_6 : i32
    %scan3A_8 = arith.constant 1 : i32
    scf.for %scan3A_22 = %scan3A_5 to %scan3A_7 step %scan3A_8  : i32 {
      %mul3A_23 = arith.constant 1 : i32
      %mul3A_24 = arith.muli %scan3A_22, %mul3A_23 : i32
      %add3A_25 = arith.constant 0 : i32
      %add3A_26 = arith.addi %add3A_25, %mul3A_24 : i32
      %scan3A_27 = arith.constant 0 : i32
      %scan3A_28 = arith.constant 8 : i32
      %scan3A_29 = arith.addi %scan3A_27, %scan3A_28 : i32
      %scan3A_30 = arith.constant 1 : i32
      scf.for %scan3A_32 = %scan3A_27 to %scan3A_29 step %scan3A_30  : i32 {
        %mul3A_33 = arith.constant 1 : i32
        %mul3A_34 = arith.muli %scan3A_32, %mul3A_33 : i32
        %add3A_35 = arith.constant 0 : i32
        %add3A_36 = arith.addi %add3A_35, %mul3A_34 : i32
        %broadcast_in_dim3A = arith.constant 0.000000e+00 : f32
        %broadcast_in_dim3A_37 = vector.broadcast %broadcast_in_dim3A : f32 to vector<16xf32>
        %jit3A = arith.constant 40 : i32
        %div3A = arith.divsi %add3A_26, %jit3A : i32
        %sign3A = arith.constant 0 : i32
        %sign3A_38 = arith.cmpi sgt, %add3A_26, %sign3A : i32
        %sign3A_39 = arith.extui %sign3A_38 : i1 to i32
        %sign3A_40 = arith.constant 0 : i32
        %sign3A_41 = arith.cmpi slt, %add3A_26, %sign3A_40 : i32
        %sign3A_42 = arith.extui %sign3A_41 : i1 to i32
        %sign3A_43 = arith.subi %sign3A_39, %sign3A_42 : i32
        %sign3A_44 = arith.constant 0 : i32
        %sign3A_45 = arith.cmpi sgt, %jit3A, %sign3A_44 : i32
        %sign3A_46 = arith.extui %sign3A_45 : i1 to i32
        %sign3A_47 = arith.constant 0 : i32
        %sign3A_48 = arith.cmpi slt, %jit3A, %sign3A_47 : i32
        %sign3A_49 = arith.extui %sign3A_48 : i1 to i32
        %sign3A_50 = arith.subi %sign3A_46, %sign3A_49 : i32
        %ne3A = arith.cmpi ne, %sign3A_43, %sign3A_50 : i32
        %rem3A = arith.remsi %add3A_26, %jit3A : i32
        %ne3A_51 = arith.constant 0 : i32
        %ne3A_52 = arith.cmpi ne, %rem3A, %ne3A_51 : i32
        %and3A = arith.andi %ne3A, %ne3A_52 : i1
        %sub3A = arith.constant 1 : i32
        %sub3A_53 = arith.subi %div3A, %sub3A : i32
        %select_n3A = arith.select %and3A, %sub3A_53, %div3A : i32
        %jit3A_54 = arith.constant 40 : i32
        %eq3A = arith.constant 0 : i32
        %eq3A_55 = arith.cmpi eq, %jit3A_54, %eq3A : i32
        %jit3A_56 = arith.constant 1 : i32
        %select_n3A_57 = arith.select %eq3A_55, %jit3A_56, %jit3A_54 : i32
        %rem3A_58 = arith.remsi %add3A_26, %select_n3A_57 : i32
        %ne3A_59 = arith.constant 0 : i32
        %ne3A_60 = arith.cmpi ne, %rem3A_58, %ne3A_59 : i32
        %lt3A = arith.constant 0 : i32
        %lt3A_61 = arith.cmpi slt, %rem3A_58, %lt3A : i32
        %lt3A_62 = arith.constant 0 : i32
        %lt3A_63 = arith.cmpi slt, %select_n3A_57, %lt3A_62 : i32
        %ne3A_64 = arith.xori %lt3A_61, %lt3A_63 : i1
        %and3A_65 = arith.andi %ne3A_64, %ne3A_60 : i1
        %add3A_66 = arith.addi %rem3A_58, %select_n3A_57 : i32
        %select_n3A_67 = arith.select %and3A_65, %add3A_66, %rem3A_58 : i32
        %mul3A_68 = arith.constant 16 : i32
        %mul3A_69 = arith.muli %add3A_36, %mul3A_68 : i32
        %swap3A = arith.index_cast %select_n3A : i32 to index
        %swap3A_70 = arith.index_cast %select_n3A_67 : i32 to index
        %swap3A_71 = arith.index_cast %mul3A_69 : i32 to index
        %swap3A_72 = tpu.vector_load %arg8[%swap3A, %swap3A_70, %swap3A_71] {strides = array<i32>} : memref<3x40x128xf32, #tpu.memory_space<vmem>>, vector<1x1x16xf32>,
        %swap3A_73 = vector.shape_cast %swap3A_72 : vector<1x1x16xf32> to vector<16xf32>
        %swap3A_74 = vector.shape_cast %broadcast_in_dim3A_37 : vector<16xf32> to vector<1x1x16xf32>
        tpu.vector_store %arg8[%swap3A, %swap3A_70, %swap3A_71], %swap3A_74 {strides = array<i32>} : memref<3x40x128xf32, #tpu.memory_space<vmem>>, vector<1x1x16xf32>,
      }
      %scan3A_31 = arith.constant 8 : i32
    }
    %scan3A_9 = arith.constant 120 : i32
    %scan3A_10 = arith.constant 0 : i32
    %scan3A_11 = arith.constant 15 : i32
    %scan3A_12 = arith.addi %scan3A_10, %scan3A_11 : i32
    %scan3A_13 = arith.constant 1 : i32
    scf.for %scan3A_22 = %scan3A_10 to %scan3A_12 step %scan3A_13  : i32 {
      %mul3A_23 = arith.constant 1 : i32
      %mul3A_24 = arith.muli %scan3A_22, %mul3A_23 : i32
      %add3A_25 = arith.constant 0 : i32
      %add3A_26 = arith.addi %add3A_25, %mul3A_24 : i32
      %mul3A_27 = arith.constant 40 : i32
      %mul3A_28 = arith.muli %add3A_26, %mul3A_27 : i32
      %add3A_29 = arith.addi %mul3A_0, %mul3A_28 : i32
      %run_scoped3A_30 = arith.constant 0 : i32
      "tpu.region"() ({
        %run_scoped3A_31 = tpu.sem_alloc : memref<!tpu.dma_semaphore, #tpu.memory_space<semaphore_mem>>
        %dma_start3A = arith.constant 0 : i32
        %dma_start3A_32 = arith.constant 0 : i32
        %dma_start3A_33 = tpu.memref_slice %arg8[%run_scoped3A_30, %dma_start3A, %dma_start3A_32] : memref<3x40x128xf32, #tpu.memory_space<vmem>> -> memref<1x40x128xf32, #tpu.memory_space<vmem>>
        %dma_start3A_34 = tpu.memref_squeeze %dma_start3A_33 : memref<1x40x128xf32, #tpu.memory_space<vmem>> -> memref<40x128xf32, #tpu.memory_space<vmem>>
        %dma_start3A_35 = arith.constant 0 : i32
        %dma_start3A_36 = tpu.memref_slice %arg5[%add3A_29, %dma_start3A_35] : memref<10112x128xf32, #tpu.memory_space<vmem_shared>> -> memref<40x128xf32, #tpu.memory_space<vmem_shared>>
        %dma_start3A_37 = arith.constant 0 : i32
        %dma_start3A_38 = tpu.memref_slice %arg5[%add3A_29, %dma_start3A_37] : memref<10112x128xf32, #tpu.memory_space<vmem_shared>> -> memref<40x128xf32, #tpu.memory_space<vmem_shared>>
        %dma_start3A_39 = arith.constant 0 : i32
        %dma_start3A_40 = arith.constant 0 : i32
        %dma_start3A_41 = tpu.memref_slice %arg8[%run_scoped3A_30, %dma_start3A_39, %dma_start3A_40] : memref<3x40x128xf32, #tpu.memory_space<vmem>> -> memref<1x40x128xf32, #tpu.memory_space<vmem>>
        %dma_start3A_42 = tpu.memref_squeeze %dma_start3A_41 : memref<1x40x128xf32, #tpu.memory_space<vmem>> -> memref<40x128xf32, #tpu.memory_space<vmem>>
        tpu.enqueue_dma source(%dma_start3A_42 : memref<40x128xf32, #tpu.memory_space<vmem>>) target(%dma_start3A_38 : memref<40x128xf32, #tpu.memory_space<vmem_shared>>) target_semaphore(%run_scoped3A_31 : memref<!tpu.dma_semaphore, #tpu.memory_space<semaphore_mem>>)
        %dma_wait3A = arith.constant 0 : i32
        %dma_wait3A_43 = arith.constant 0 : i32
        %dma_wait3A_44 = tpu.memref_slice %arg8[%run_scoped3A_30, %dma_wait3A, %dma_wait3A_43] : memref<3x40x128xf32, #tpu.memory_space<vmem>> -> memref<1x40x128xf32, #tpu.memory_space<vmem>>
        %dma_wait3A_45 = tpu.memref_squeeze %dma_wait3A_44 : memref<1x40x128xf32, #tpu.memory_space<vmem>> -> memref<40x128xf32, #tpu.memory_space<vmem>>
        %dma_wait3A_46 = arith.constant 0 : i32
        %dma_wait3A_47 = tpu.memref_slice %arg5[%add3A_29, %dma_wait3A_46] : memref<10112x128xf32, #tpu.memory_space<vmem_shared>> -> memref<40x128xf32, #tpu.memory_space<vmem_shared>>
        %dma_wait3A_48 = arith.constant 0 : i32
        %dma_wait3A_49 = tpu.memref_slice %arg5[%add3A_29, %dma_wait3A_48] : memref<10112x128xf32, #tpu.memory_space<vmem_shared>> -> memref<40x128xf32, #tpu.memory_space<vmem_shared>>
        %dma_wait3A_50 = arith.constant 0 : i32
        %dma_wait3A_51 = arith.constant 0 : i32
        %dma_wait3A_52 = tpu.memref_slice %arg8[%run_scoped3A_30, %dma_wait3A_50, %dma_wait3A_51] : memref<3x40x128xf32, #tpu.memory_space<vmem>> -> memref<1x40x128xf32, #tpu.memory_space<vmem>>
        %dma_wait3A_53 = tpu.memref_squeeze %dma_wait3A_52 : memref<1x40x128xf32, #tpu.memory_space<vmem>> -> memref<40x128xf32, #tpu.memory_space<vmem>>
        tpu.wait_dma2 semaphore(%run_scoped3A_31 : memref<!tpu.dma_semaphore, #tpu.memory_space<semaphore_mem>>) src(%dma_wait3A_53 : memref<40x128xf32, #tpu.memory_space<vmem>>) dst(%dma_wait3A_49 : memref<40x128xf32, #tpu.memory_space<vmem_shared>>)
        tpu.yield
      }) : () -> ()
    }
    %scan3A_14 = arith.constant 15 : i32
    %add3A = arith.constant 600 : i32
    %add3A_15 = arith.addi %mul3A_0, %add3A : i32
    %run_scoped3A = arith.constant 0 : i32
    "tpu.region"() ({
      %run_scoped3A_22 = tpu.sem_alloc : memref<!tpu.dma_semaphore, #tpu.memory_space<semaphore_mem>>
      %dma_start3A = arith.constant 0 : i32
      %dma_start3A_23 = arith.constant 0 : i32
      %dma_start3A_24 = tpu.memref_slice %arg8[%run_scoped3A, %dma_start3A, %dma_start3A_23] : memref<3x40x128xf32, #tpu.memory_space<vmem>> -> memref<1x32x128xf32, #tpu.memory_space<vmem>>
      %dma_start3A_25 = tpu.memref_squeeze %dma_start3A_24 : memref<1x32x128xf32, #tpu.memory_space<vmem>> -> memref<32x128xf32, #tpu.memory_space<vmem>>
      %dma_start3A_26 = arith.constant 0 : i32
      %dma_start3A_27 = tpu.memref_slice %arg5[%add3A_15, %dma_start3A_26] : memref<10112x128xf32, #tpu.memory_space<vmem_shared>> -> memref<32x128xf32, #tpu.memory_space<vmem_shared>>
      %dma_start3A_28 = arith.constant 0 : i32
      %dma_start3A_29 = tpu.memref_slice %arg5[%add3A_15, %dma_start3A_28] : memref<10112x128xf32, #tpu.memory_space<vmem_shared>> -> memref<32x128xf32, #tpu.memory_space<vmem_shared>>
      %dma_start3A_30 = arith.constant 0 : i32
      %dma_start3A_31 = arith.constant 0 : i32
      %dma_start3A_32 = tpu.memref_slice %arg8[%run_scoped3A, %dma_start3A_30, %dma_start3A_31] : memref<3x40x128xf32, #tpu.memory_space<vmem>> -> memref<1x32x128xf32, #tpu.memory_space<vmem>>
      %dma_start3A_33 = tpu.memref_squeeze %dma_start3A_32 : memref<1x32x128xf32, #tpu.memory_space<vmem>> -> memref<32x128xf32, #tpu.memory_space<vmem>>
      tpu.enqueue_dma source(%dma_start3A_33 : memref<32x128xf32, #tpu.memory_space<vmem>>) target(%dma_start3A_29 : memref<32x128xf32, #tpu.memory_space<vmem_shared>>) target_semaphore(%run_scoped3A_22 : memref<!tpu.dma_semaphore, #tpu.memory_space<semaphore_mem>>)
      %dma_wait3A = arith.constant 0 : i32
      %dma_wait3A_34 = arith.constant 0 : i32
      %dma_wait3A_35 = tpu.memref_slice %arg8[%run_scoped3A, %dma_wait3A, %dma_wait3A_34] : memref<3x40x128xf32, #tpu.memory_space<vmem>> -> memref<1x32x128xf32, #tpu.memory_space<vmem>>
      %dma_wait3A_36 = tpu.memref_squeeze %dma_wait3A_35 : memref<1x32x128xf32, #tpu.memory_space<vmem>> -> memref<32x128xf32, #tpu.memory_space<vmem>>
      %dma_wait3A_37 = arith.constant 0 : i32
      %dma_wait3A_38 = tpu.memref_slice %arg5[%add3A_15, %dma_wait3A_37] : memref<10112x128xf32, #tpu.memory_space<vmem_shared>> -> memref<32x128xf32, #tpu.memory_space<vmem_shared>>
      %dma_wait3A_39 = arith.constant 0 : i32
      %dma_wait3A_40 = tpu.memref_slice %arg5[%add3A_15, %dma_wait3A_39] : memref<10112x128xf32, #tpu.memory_space<vmem_shared>> -> memref<32x128xf32, #tpu.memory_space<vmem_shared>>
      %dma_wait3A_41 = arith.constant 0 : i32
      %dma_wait3A_42 = arith.constant 0 : i32
      %dma_wait3A_43 = tpu.memref_slice %arg8[%run_scoped3A, %dma_wait3A_41, %dma_wait3A_42] : memref<3x40x128xf32, #tpu.memory_space<vmem>> -> memref<1x32x128xf32, #tpu.memory_space<vmem>>
      %dma_wait3A_44 = tpu.memref_squeeze %dma_wait3A_43 : memref<1x32x128xf32, #tpu.memory_space<vmem>> -> memref<32x128xf32, #tpu.memory_space<vmem>>
      tpu.wait_dma2 semaphore(%run_scoped3A_22 : memref<!tpu.dma_semaphore, #tpu.memory_space<semaphore_mem>>) src(%dma_wait3A_44 : memref<32x128xf32, #tpu.memory_space<vmem>>) dst(%dma_wait3A_40 : memref<32x128xf32, #tpu.memory_space<vmem_shared>>)
      tpu.yield
    }) : () -> ()
    %barrier3A = arith.constant 0 : index
    tpu.barrier barrier_id(%barrier3A)
    %scan3A_16 = arith.constant 0 : i32
    %scan3A_17 = arith.constant 252 : i32
    %scan3A_18 = arith.addi %scan3A_16, %scan3A_17 : i32
    %scan3A_19 = arith.constant 1 : i32
    scf.for %scan3A_22 = %scan3A_16 to %scan3A_18 step %scan3A_19  : i32 {
      %mul3A_23 = arith.constant 1 : i32
      %mul3A_24 = arith.muli %scan3A_22, %mul3A_23 : i32
      %add3A_25 = arith.constant 0 : i32
      %add3A_26 = arith.addi %add3A_25, %mul3A_24 : i32
      %shift_right_arithmetic3A = arith.constant 1 : i32
      %shift_right_arithmetic3A_27 = arith.shrsi %add3A_26, %shift_right_arithmetic3A : i32
      %and3A = arith.constant 1 : i32
      %and3A_28 = arith.andi %add3A_26, %and3A : i32
      %lt3A = arith.constant 250 : i32
      %lt3A_29 = arith.cmpi slt, %add3A_26, %lt3A : i32
      %convert_element_type3A = arith.extui %lt3A_29 : i1 to i32
      %cond3A = arith.constant 0 : i32
      %cond3A_30 = arith.cmpi ne, %convert_element_type3A, %cond3A : i32
      scf.if %cond3A_30 {
        %jit3A = arith.constant 3 : i32
        %eq3A_47 = arith.constant 0 : i32
        %eq3A_48 = arith.cmpi eq, %jit3A, %eq3A_47 : i32
        %jit3A_49 = arith.constant 1 : i32
        %select_n3A = arith.select %eq3A_48, %jit3A_49, %jit3A : i32
        %rem3A = arith.remsi %shift_right_arithmetic3A_27, %select_n3A : i32
        %ne3A = arith.constant 0 : i32
        %ne3A_50 = arith.cmpi ne, %rem3A, %ne3A : i32
        %lt3A_51 = arith.constant 0 : i32
        %lt3A_52 = arith.cmpi slt, %rem3A, %lt3A_51 : i32
        %lt3A_53 = arith.constant 0 : i32
        %lt3A_54 = arith.cmpi slt, %select_n3A, %lt3A_53 : i32
        %ne3A_55 = arith.xori %lt3A_52, %lt3A_54 : i1
        %and3A_56 = arith.andi %ne3A_55, %ne3A_50 : i1
        %add3A_57 = arith.addi %rem3A, %select_n3A : i32
        %select_n3A_58 = arith.select %and3A_56, %add3A_57, %rem3A : i32
        %eq3A_59 = arith.constant 0 : i32
        %eq3A_60 = arith.cmpi eq, %and3A_28, %eq3A_59 : i32
        %convert_element_type3A_61 = arith.extui %eq3A_60 : i1 to i32
        %cond3A_62 = arith.constant 0 : i32
        %cond3A_63 = arith.cmpi ne, %convert_element_type3A_61, %cond3A_62 : i32
        scf.if %cond3A_63 {
          %dma_wait3A = arith.constant 0 : i32
          %dma_wait3A_107 = arith.constant 0 : i32
          %dma_wait3A_108 = arith.constant 0 : i32
          %dma_wait3A_109 = tpu.memref_slice %arg6[%select_n3A_58, %dma_wait3A_107, %dma_wait3A_108] : memref<3x2x40xi32, #tpu.memory_space<vmem>> -> memref<1x2x40xi32, #tpu.memory_space<vmem>>
          %dma_wait3A_110 = tpu.memref_squeeze %dma_wait3A_109 : memref<1x2x40xi32, #tpu.memory_space<vmem>> -> memref<2x40xi32, #tpu.memory_space<vmem>>
          %dma_wait3A_111 = arith.constant 0 : i32
          %dma_wait3A_112 = arith.constant 0 : i32
          %dma_wait3A_113 = tpu.memref_slice %arg3[%dma_wait3A, %arg0, %arg1, %shift_right_arithmetic3A_27, %dma_wait3A_111, %dma_wait3A_112] : memref<2x2x16x125x2x40xi32, #tpu.memory_space<hbm>> -> memref<1x1x1x1x2x40xi32, #tpu.memory_space<hbm>>
          %dma_wait3A_114 = tpu.memref_squeeze %dma_wait3A_113 : memref<1x1x1x1x2x40xi32, #tpu.memory_space<hbm>> -> memref<2x40xi32, #tpu.memory_space<hbm>>
          %dma_wait3A_115 = tpu.memref_slice %arg10[%select_n3A_58] : memref<3x!tpu.dma_semaphore, #tpu.memory_space<semaphore_mem>> -> memref<1x!tpu.dma_semaphore, #tpu.memory_space<semaphore_mem>>
          %dma_wait3A_116 = tpu.memref_squeeze %dma_wait3A_115 : memref<1x!tpu.dma_semaphore, #tpu.memory_space<semaphore_mem>> -> memref<!tpu.dma_semaphore, #tpu.memory_space<semaphore_mem>>
          %dma_wait3A_117 = arith.constant 0 : i32
          %dma_wait3A_118 = arith.constant 0 : i32
          %dma_wait3A_119 = tpu.memref_slice %arg6[%select_n3A_58, %dma_wait3A_117, %dma_wait3A_118] : memref<3x2x40xi32, #tpu.memory_space<vmem>> -> memref<1x2x40xi32, #tpu.memory_space<vmem>>
          %dma_wait3A_120 = tpu.memref_squeeze %dma_wait3A_119 : memref<1x2x40xi32, #tpu.memory_space<vmem>> -> memref<2x40xi32, #tpu.memory_space<vmem>>
          %dma_wait3A_121 = arith.constant 0 : i32
          %dma_wait3A_122 = arith.constant 0 : i32
          %dma_wait3A_123 = tpu.memref_slice %arg3[%dma_wait3A, %arg0, %arg1, %shift_right_arithmetic3A_27, %dma_wait3A_121, %dma_wait3A_122] : memref<2x2x16x125x2x40xi32, #tpu.memory_space<hbm>> -> memref<1x1x1x1x2x40xi32, #tpu.memory_space<hbm>>
          %dma_wait3A_124 = tpu.memref_squeeze %dma_wait3A_123 : memref<1x1x1x1x2x40xi32, #tpu.memory_space<hbm>> -> memref<2x40xi32, #tpu.memory_space<hbm>>
          tpu.wait_dma2 semaphore(%dma_wait3A_116 : memref<!tpu.dma_semaphore, #tpu.memory_space<semaphore_mem>>) src(%dma_wait3A_124 : memref<2x40xi32, #tpu.memory_space<hbm>>) dst(%dma_wait3A_120 : memref<2x40xi32, #tpu.memory_space<vmem>>)
          %dma_wait3A_125 = arith.constant 1 : i32
          %dma_wait3A_126 = arith.constant 0 : i32
          %dma_wait3A_127 = arith.constant 0 : i32
          %dma_wait3A_128 = tpu.memref_slice %arg7[%select_n3A_58, %dma_wait3A_126, %dma_wait3A_127] : memref<3x2x40xi32, #tpu.memory_space<vmem>> -> memref<1x2x40xi32, #tpu.memory_space<vmem>>
          %dma_wait3A_129 = tpu.memref_squeeze %dma_wait3A_128 : memref<1x2x40xi32, #tpu.memory_space<vmem>> -> memref<2x40xi32, #tpu.memory_space<vmem>>
          %dma_wait3A_130 = arith.constant 0 : i32
          %dma_wait3A_131 = arith.constant 0 : i32
          %dma_wait3A_132 = tpu.memref_slice %arg3[%dma_wait3A_125, %arg0, %arg1, %shift_right_arithmetic3A_27, %dma_wait3A_130, %dma_wait3A_131] : memref<2x2x16x125x2x40xi32, #tpu.memory_space<hbm>> -> memref<1x1x1x1x2x40xi32, #tpu.memory_space<hbm>>
          %dma_wait3A_133 = tpu.memref_squeeze %dma_wait3A_132 : memref<1x1x1x1x2x40xi32, #tpu.memory_space<hbm>> -> memref<2x40xi32, #tpu.memory_space<hbm>>
          %dma_wait3A_134 = tpu.memref_slice %arg10[%select_n3A_58] : memref<3x!tpu.dma_semaphore, #tpu.memory_space<semaphore_mem>> -> memref<1x!tpu.dma_semaphore, #tpu.memory_space<semaphore_mem>>
          %dma_wait3A_135 = tpu.memref_squeeze %dma_wait3A_134 : memref<1x!tpu.dma_semaphore, #tpu.memory_space<semaphore_mem>> -> memref<!tpu.dma_semaphore, #tpu.memory_space<semaphore_mem>>
          %dma_wait3A_136 = arith.constant 0 : i32
          %dma_wait3A_137 = arith.constant 0 : i32
          %dma_wait3A_138 = tpu.memref_slice %arg7[%select_n3A_58, %dma_wait3A_136, %dma_wait3A_137] : memref<3x2x40xi32, #tpu.memory_space<vmem>> -> memref<1x2x40xi32, #tpu.memory_space<vmem>>
          %dma_wait3A_139 = tpu.memref_squeeze %dma_wait3A_138 : memref<1x2x40xi32, #tpu.memory_space<vmem>> -> memref<2x40xi32, #tpu.memory_space<vmem>>
          %dma_wait3A_140 = arith.constant 0 : i32
          %dma_wait3A_141 = arith.constant 0 : i32
          %dma_wait3A_142 = tpu.memref_slice %arg3[%dma_wait3A_125, %arg0, %arg1, %shift_right_arithmetic3A_27, %dma_wait3A_140, %dma_wait3A_141] : memref<2x2x16x125x2x40xi32, #tpu.memory_space<hbm>> -> memref<1x1x1x1x2x40xi32, #tpu.memory_space<hbm>>
          %dma_wait3A_143 = tpu.memref_squeeze %dma_wait3A_142 : memref<1x1x1x1x2x40xi32, #tpu.memory_space<hbm>> -> memref<2x40xi32, #tpu.memory_space<hbm>>
          tpu.wait_dma2 semaphore(%dma_wait3A_135 : memref<!tpu.dma_semaphore, #tpu.memory_space<semaphore_mem>>) src(%dma_wait3A_143 : memref<2x40xi32, #tpu.memory_space<hbm>>) dst(%dma_wait3A_139 : memref<2x40xi32, #tpu.memory_space<vmem>>)
        } else {
        }
        %jit3A_64 = arith.constant 3 : i32
        %eq3A_65 = arith.constant 0 : i32
        %eq3A_66 = arith.cmpi eq, %jit3A_64, %eq3A_65 : i32
        %jit3A_67 = arith.constant 1 : i32
        %select_n3A_68 = arith.select %eq3A_66, %jit3A_67, %jit3A_64 : i32
        %rem3A_69 = arith.remsi %add3A_26, %select_n3A_68 : i32
        %ne3A_70 = arith.constant 0 : i32
        %ne3A_71 = arith.cmpi ne, %rem3A_69, %ne3A_70 : i32
        %lt3A_72 = arith.constant 0 : i32
        %lt3A_73 = arith.cmpi slt, %rem3A_69, %lt3A_72 : i32
        %lt3A_74 = arith.constant 0 : i32
        %lt3A_75 = arith.cmpi slt, %select_n3A_68, %lt3A_74 : i32
        %ne3A_76 = arith.xori %lt3A_73, %lt3A_75 : i1
        %and3A_77 = arith.andi %ne3A_76, %ne3A_71 : i1
        %add3A_78 = arith.addi %rem3A_69, %select_n3A_68 : i32
        %select_n3A_79 = arith.select %and3A_77, %add3A_78, %rem3A_69 : i32
        %jit3A_80 = arith.constant 3 : i32
        %eq3A_81 = arith.constant 0 : i32
        %eq3A_82 = arith.cmpi eq, %jit3A_80, %eq3A_81 : i32
        %jit3A_83 = arith.constant 1 : i32
        %select_n3A_84 = arith.select %eq3A_82, %jit3A_83, %jit3A_80 : i32
        %rem3A_85 = arith.remsi %add3A_26, %select_n3A_84 : i32
        %ne3A_86 = arith.constant 0 : i32
        %ne3A_87 = arith.cmpi ne, %rem3A_85, %ne3A_86 : i32
        %lt3A_88 = arith.constant 0 : i32
        %lt3A_89 = arith.cmpi slt, %rem3A_85, %lt3A_88 : i32
        %lt3A_90 = arith.constant 0 : i32
        %lt3A_91 = arith.cmpi slt, %select_n3A_84, %lt3A_90 : i32
        %ne3A_92 = arith.xori %lt3A_89, %lt3A_91 : i1
        %and3A_93 = arith.andi %ne3A_92, %ne3A_87 : i1
        %add3A_94 = arith.addi %rem3A_85, %select_n3A_84 : i32
        %select_n3A_95 = arith.select %and3A_93, %add3A_94, %rem3A_85 : i32
        %dma_start3A = arith.constant 0 : i32
        %dma_start3A_96 = arith.constant 0 : i32
        %dma_start3A_97 = tpu.memref_slice %arg8[%select_n3A_79, %dma_start3A, %dma_start3A_96] : memref<3x40x128xf32, #tpu.memory_space<vmem>> -> memref<1x40x128xf32, #tpu.memory_space<vmem>>
        %dma_start3A_98 = tpu.memref_squeeze %dma_start3A_97 : memref<1x40x128xf32, #tpu.memory_space<vmem>> -> memref<40x128xf32, #tpu.memory_space<vmem>>
        %dma_start3A_99 = arith.constant 0 : i32
        %dma_start3A_100 = tpu.memref_slice %arg6[%select_n3A_58, %and3A_28, %dma_start3A_99] : memref<3x2x40xi32, #tpu.memory_space<vmem>> -> memref<1x1x40xi32, #tpu.memory_space<vmem>>
        %dma_start3A_101 = tpu.memref_squeeze %dma_start3A_100 : memref<1x1x40xi32, #tpu.memory_space<vmem>> -> memref<40xi32, #tpu.memory_space<vmem>>
        %dma_start3A_102 = arith.constant 0 : i32
        %dma_start3A_103 = arith.constant 0 : i32
        %dma_start3A_104 = tpu.memref_slice %arg2[%dma_start3A_102, %dma_start3A_103] : memref<10000x128xf32, #tpu.memory_space<hbm>> -> memref<10000x128xf32, #tpu.memory_space<hbm>>
        %dma_start3A_105 = tpu.memref_slice %arg9[%select_n3A_95] : memref<3x!tpu.dma_semaphore, #tpu.memory_space<semaphore_mem>> -> memref<1x!tpu.dma_semaphore, #tpu.memory_space<semaphore_mem>>
        %dma_start3A_106 = tpu.memref_squeeze %dma_start3A_105 : memref<1x!tpu.dma_semaphore, #tpu.memory_space<semaphore_mem>> -> memref<!tpu.dma_semaphore, #tpu.memory_space<semaphore_mem>>
        tpu.enqueue_indirect_dma source(%dma_start3A_104 : memref<10000x128xf32, #tpu.memory_space<hbm>>) target(%dma_start3A_98 : memref<40x128xf32, #tpu.memory_space<vmem>>) offsets(%dma_start3A_101 : memref<40xi32, #tpu.memory_space<vmem>>) semaphore(%dma_start3A_106 : memref<!tpu.dma_semaphore, #tpu.memory_space<semaphore_mem>>)
      } else {
      }
      %ge3A = arith.constant 2 : i32
      %ge3A_31 = arith.cmpi sge, %add3A_26, %ge3A : i32
      %convert_element_type3A_32 = arith.extui %ge3A_31 : i1 to i32
      %cond3A_33 = arith.constant 0 : i32
      %cond3A_34 = arith.cmpi ne, %convert_element_type3A_32, %cond3A_33 : i32
      scf.if %cond3A_34 {
        %sub3A = arith.constant 2 : i32
        %sub3A_47 = arith.subi %add3A_26, %sub3A : i32
        %shift_right_arithmetic3A_48 = arith.constant 1 : i32
        %shift_right_arithmetic3A_49 = arith.shrsi %sub3A_47, %shift_right_arithmetic3A_48 : i32
        %and3A_50 = arith.constant 1 : i32
        %and3A_51 = arith.andi %sub3A_47, %and3A_50 : i32
        %jit3A = arith.constant 3 : i32
        %eq3A_52 = arith.constant 0 : i32
        %eq3A_53 = arith.cmpi eq, %jit3A, %eq3A_52 : i32
        %jit3A_54 = arith.constant 1 : i32
        %select_n3A = arith.select %eq3A_53, %jit3A_54, %jit3A : i32
        %rem3A = arith.remsi %shift_right_arithmetic3A_49, %select_n3A : i32
        %ne3A = arith.constant 0 : i32
        %ne3A_55 = arith.cmpi ne, %rem3A, %ne3A : i32
        %lt3A_56 = arith.constant 0 : i32
        %lt3A_57 = arith.cmpi slt, %rem3A, %lt3A_56 : i32
        %lt3A_58 = arith.constant 0 : i32
        %lt3A_59 = arith.cmpi slt, %select_n3A, %lt3A_58 : i32
        %ne3A_60 = arith.xori %lt3A_57, %lt3A_59 : i1
        %and3A_61 = arith.andi %ne3A_60, %ne3A_55 : i1
        %add3A_62 = arith.addi %rem3A, %select_n3A : i32
        %select_n3A_63 = arith.select %and3A_61, %add3A_62, %rem3A : i32
        %jit3A_64 = arith.constant 3 : i32
        %eq3A_65 = arith.constant 0 : i32
        %eq3A_66 = arith.cmpi eq, %jit3A_64, %eq3A_65 : i32
        %jit3A_67 = arith.constant 1 : i32
        %select_n3A_68 = arith.select %eq3A_66, %jit3A_67, %jit3A_64 : i32
        %rem3A_69 = arith.remsi %sub3A_47, %select_n3A_68 : i32
        %ne3A_70 = arith.constant 0 : i32
        %ne3A_71 = arith.cmpi ne, %rem3A_69, %ne3A_70 : i32
        %lt3A_72 = arith.constant 0 : i32
        %lt3A_73 = arith.cmpi slt, %rem3A_69, %lt3A_72 : i32
        %lt3A_74 = arith.constant 0 : i32
        %lt3A_75 = arith.cmpi slt, %select_n3A_68, %lt3A_74 : i32
        %ne3A_76 = arith.xori %lt3A_73, %lt3A_75 : i1
        %and3A_77 = arith.andi %ne3A_76, %ne3A_71 : i1
        %add3A_78 = arith.addi %rem3A_69, %select_n3A_68 : i32
        %select_n3A_79 = arith.select %and3A_77, %add3A_78, %rem3A_69 : i32
        %dma_wait3A = arith.constant 0 : i32
        %dma_wait3A_80 = arith.constant 0 : i32
        %dma_wait3A_81 = tpu.memref_slice %arg8[%select_n3A_79, %dma_wait3A, %dma_wait3A_80] : memref<3x40x128xf32, #tpu.memory_space<vmem>> -> memref<1x40x128xf32, #tpu.memory_space<vmem>>
        %dma_wait3A_82 = tpu.memref_squeeze %dma_wait3A_81 : memref<1x40x128xf32, #tpu.memory_space<vmem>> -> memref<40x128xf32, #tpu.memory_space<vmem>>
        %dma_wait3A_83 = arith.constant 0 : i32
        %dma_wait3A_84 = tpu.memref_slice %arg6[%select_n3A_63, %and3A_51, %dma_wait3A_83] : memref<3x2x40xi32, #tpu.memory_space<vmem>> -> memref<1x1x40xi32, #tpu.memory_space<vmem>>
        %dma_wait3A_85 = tpu.memref_squeeze %dma_wait3A_84 : memref<1x1x40xi32, #tpu.memory_space<vmem>> -> memref<40xi32, #tpu.memory_space<vmem>>
        %dma_wait3A_86 = arith.constant 0 : i32
        %dma_wait3A_87 = arith.constant 0 : i32
        %dma_wait3A_88 = tpu.memref_slice %arg2[%dma_wait3A_86, %dma_wait3A_87] : memref<10000x128xf32, #tpu.memory_space<hbm>> -> memref<10000x128xf32, #tpu.memory_space<hbm>>
        %dma_wait3A_89 = tpu.memref_slice %arg9[%select_n3A_79] : memref<3x!tpu.dma_semaphore, #tpu.memory_space<semaphore_mem>> -> memref<1x!tpu.dma_semaphore, #tpu.memory_space<semaphore_mem>>
        %dma_wait3A_90 = tpu.memref_squeeze %dma_wait3A_89 : memref<1x!tpu.dma_semaphore, #tpu.memory_space<semaphore_mem>> -> memref<!tpu.dma_semaphore, #tpu.memory_space<semaphore_mem>>
        tpu.wait_indirect_dma semaphore(%dma_wait3A_90 : memref<!tpu.dma_semaphore, #tpu.memory_space<semaphore_mem>>) src(%dma_wait3A_88 : memref<10000x128xf32, #tpu.memory_space<hbm>>) dst(%dma_wait3A_82 : memref<40x128xf32, #tpu.memory_space<vmem>>)
        "tpu.region"() ({
          %run_scoped3A_91 = tpu.sem_alloc : memref<!tpu.dma_semaphore, #tpu.memory_space<semaphore_mem>>
          %dma_start3A = arith.constant 0 : i32
          %dma_start3A_92 = arith.constant 0 : i32
          %dma_start3A_93 = tpu.memref_slice %arg8[%select_n3A_79, %dma_start3A, %dma_start3A_92] : memref<3x40x128xf32, #tpu.memory_space<vmem>> -> memref<1x40x128xf32, #tpu.memory_space<vmem>>
          %dma_start3A_94 = tpu.memref_squeeze %dma_start3A_93 : memref<1x40x128xf32, #tpu.memory_space<vmem>> -> memref<40x128xf32, #tpu.memory_space<vmem>>
          %dma_start3A_95 = arith.constant 0 : i32
          %dma_start3A_96 = tpu.memref_slice %arg7[%select_n3A_63, %and3A_51, %dma_start3A_95] : memref<3x2x40xi32, #tpu.memory_space<vmem>> -> memref<1x1x40xi32, #tpu.memory_space<vmem>>
          %dma_start3A_97 = tpu.memref_squeeze %dma_start3A_96 : memref<1x1x40xi32, #tpu.memory_space<vmem>> -> memref<40xi32, #tpu.memory_space<vmem>>
          %dma_start3A_98 = arith.constant 0 : i32
          %dma_start3A_99 = arith.constant 0 : i32
          %dma_start3A_100 = tpu.memref_slice %arg5[%dma_start3A_98, %dma_start3A_99] : memref<10112x128xf32, #tpu.memory_space<vmem_shared>> -> memref<10112x128xf32, #tpu.memory_space<vmem_shared>>
          tpu.enqueue_indirect_dma source(%dma_start3A_94 : memref<40x128xf32, #tpu.memory_space<vmem>>) target(%dma_start3A_100 : memref<10112x128xf32, #tpu.memory_space<vmem_shared>>) offsets(%dma_start3A_97 : memref<40xi32, #tpu.memory_space<vmem>>) semaphore(%run_scoped3A_91 : memref<!tpu.dma_semaphore, #tpu.memory_space<semaphore_mem>>) {add = true}
          %dma_wait3A_101 = arith.constant 0 : i32
          %dma_wait3A_102 = arith.constant 0 : i32
          %dma_wait3A_103 = tpu.memref_slice %arg8[%select_n3A_79, %dma_wait3A_101, %dma_wait3A_102] : memref<3x40x128xf32, #tpu.memory_space<vmem>> -> memref<1x40x128xf32, #tpu.memory_space<vmem>>
          %dma_wait3A_104 = tpu.memref_squeeze %dma_wait3A_103 : memref<1x40x128xf32, #tpu.memory_space<vmem>> -> memref<40x128xf32, #tpu.memory_space<vmem>>
          %dma_wait3A_105 = arith.constant 0 : i32
          %dma_wait3A_106 = tpu.memref_slice %arg7[%select_n3A_63, %and3A_51, %dma_wait3A_105] : memref<3x2x40xi32, #tpu.memory_space<vmem>> -> memref<1x1x40xi32, #tpu.memory_space<vmem>>
          %dma_wait3A_107 = tpu.memref_squeeze %dma_wait3A_106 : memref<1x1x40xi32, #tpu.memory_space<vmem>> -> memref<40xi32, #tpu.memory_space<vmem>>
          %dma_wait3A_108 = arith.constant 0 : i32
          %dma_wait3A_109 = arith.constant 0 : i32
          %dma_wait3A_110 = tpu.memref_slice %arg5[%dma_wait3A_108, %dma_wait3A_109] : memref<10112x128xf32, #tpu.memory_space<vmem_shared>> -> memref<10112x128xf32, #tpu.memory_space<vmem_shared>>
          tpu.wait_indirect_dma semaphore(%run_scoped3A_91 : memref<!tpu.dma_semaphore, #tpu.memory_space<semaphore_mem>>) src(%dma_wait3A_104 : memref<40x128xf32, #tpu.memory_space<vmem>>) dst(%dma_wait3A_110 : memref<10112x128xf32, #tpu.memory_space<vmem_shared>>)
          tpu.yield
        }) : () -> ()
      } else {
      }
      %lt3A_35 = arith.constant 250 : i32
      %lt3A_36 = arith.cmpi slt, %add3A_26, %lt3A_35 : i32
      %eq3A = arith.constant 1 : i32
      %eq3A_37 = arith.cmpi eq, %and3A_28, %eq3A : i32
      %add3A_38 = arith.constant 2 : i32
      %add3A_39 = arith.addi %shift_right_arithmetic3A_27, %add3A_38 : i32
      %lt3A_40 = arith.constant 125 : i32
      %lt3A_41 = arith.cmpi slt, %add3A_39, %lt3A_40 : i32
      %and3A_42 = arith.andi %eq3A_37, %lt3A_41 : i1
      %and3A_43 = arith.andi %lt3A_36, %and3A_42 : i1
      %convert_element_type3A_44 = arith.extui %and3A_43 : i1 to i32
      %cond3A_45 = arith.constant 0 : i32
      %cond3A_46 = arith.cmpi ne, %convert_element_type3A_44, %cond3A_45 : i32
      scf.if %cond3A_46 {
        %add3A_47 = arith.constant 2 : i32
        %add3A_48 = arith.addi %shift_right_arithmetic3A_27, %add3A_47 : i32
        %add3A_49 = arith.constant 2 : i32
        %add3A_50 = arith.addi %shift_right_arithmetic3A_27, %add3A_49 : i32
        %jit3A = arith.constant 3 : i32
        %eq3A_51 = arith.constant 0 : i32
        %eq3A_52 = arith.cmpi eq, %jit3A, %eq3A_51 : i32
        %jit3A_53 = arith.constant 1 : i32
        %select_n3A = arith.select %eq3A_52, %jit3A_53, %jit3A : i32
        %rem3A = arith.remsi %add3A_50, %select_n3A : i32
        %ne3A = arith.constant 0 : i32
        %ne3A_54 = arith.cmpi ne, %rem3A, %ne3A : i32
        %lt3A_55 = arith.constant 0 : i32
        %lt3A_56 = arith.cmpi slt, %rem3A, %lt3A_55 : i32
        %lt3A_57 = arith.constant 0 : i32
        %lt3A_58 = arith.cmpi slt, %select_n3A, %lt3A_57 : i32
        %ne3A_59 = arith.xori %lt3A_56, %lt3A_58 : i1
        %and3A_60 = arith.andi %ne3A_59, %ne3A_54 : i1
        %add3A_61 = arith.addi %rem3A, %select_n3A : i32
        %select_n3A_62 = arith.select %and3A_60, %add3A_61, %rem3A : i32
        %dma_start3A = arith.constant 0 : i32
        %dma_start3A_63 = arith.constant 0 : i32
        %dma_start3A_64 = arith.constant 0 : i32
        %dma_start3A_65 = tpu.memref_slice %arg6[%select_n3A_62, %dma_start3A_63, %dma_start3A_64] : memref<3x2x40xi32, #tpu.memory_space<vmem>> -> memref<1x2x40xi32, #tpu.memory_space<vmem>>
        %dma_start3A_66 = tpu.memref_squeeze %dma_start3A_65 : memref<1x2x40xi32, #tpu.memory_space<vmem>> -> memref<2x40xi32, #tpu.memory_space<vmem>>
        %dma_start3A_67 = arith.constant 0 : i32
        %dma_start3A_68 = arith.constant 0 : i32
        %dma_start3A_69 = tpu.memref_slice %arg3[%dma_start3A, %arg0, %arg1, %add3A_48, %dma_start3A_67, %dma_start3A_68] : memref<2x2x16x125x2x40xi32, #tpu.memory_space<hbm>> -> memref<1x1x1x1x2x40xi32, #tpu.memory_space<hbm>>
        %dma_start3A_70 = tpu.memref_squeeze %dma_start3A_69 : memref<1x1x1x1x2x40xi32, #tpu.memory_space<hbm>> -> memref<2x40xi32, #tpu.memory_space<hbm>>
        %dma_start3A_71 = tpu.memref_slice %arg10[%select_n3A_62] : memref<3x!tpu.dma_semaphore, #tpu.memory_space<semaphore_mem>> -> memref<1x!tpu.dma_semaphore, #tpu.memory_space<semaphore_mem>>
        %dma_start3A_72 = tpu.memref_squeeze %dma_start3A_71 : memref<1x!tpu.dma_semaphore, #tpu.memory_space<semaphore_mem>> -> memref<!tpu.dma_semaphore, #tpu.memory_space<semaphore_mem>>
        %dma_start3A_73 = arith.constant 0 : i32
        %dma_start3A_74 = arith.constant 0 : i32
        %dma_start3A_75 = tpu.memref_slice %arg6[%select_n3A_62, %dma_start3A_73, %dma_start3A_74] : memref<3x2x40xi32, #tpu.memory_space<vmem>> -> memref<1x2x40xi32, #tpu.memory_space<vmem>>
        %dma_start3A_76 = tpu.memref_squeeze %dma_start3A_75 : memref<1x2x40xi32, #tpu.memory_space<vmem>> -> memref<2x40xi32, #tpu.memory_space<vmem>>
        %dma_start3A_77 = arith.constant 0 : i32
        %dma_start3A_78 = arith.constant 0 : i32
        %dma_start3A_79 = tpu.memref_slice %arg3[%dma_start3A, %arg0, %arg1, %add3A_48, %dma_start3A_77, %dma_start3A_78] : memref<2x2x16x125x2x40xi32, #tpu.memory_space<hbm>> -> memref<1x1x1x1x2x40xi32, #tpu.memory_space<hbm>>
        %dma_start3A_80 = tpu.memref_squeeze %dma_start3A_79 : memref<1x1x1x1x2x40xi32, #tpu.memory_space<hbm>> -> memref<2x40xi32, #tpu.memory_space<hbm>>
        tpu.enqueue_dma source(%dma_start3A_80 : memref<2x40xi32, #tpu.memory_space<hbm>>) target(%dma_start3A_76 : memref<2x40xi32, #tpu.memory_space<vmem>>) target_semaphore(%dma_start3A_72 : memref<!tpu.dma_semaphore, #tpu.memory_space<semaphore_mem>>)
        %dma_start3A_81 = arith.constant 1 : i32
        %dma_start3A_82 = arith.constant 0 : i32
        %dma_start3A_83 = arith.constant 0 : i32
        %dma_start3A_84 = tpu.memref_slice %arg7[%select_n3A_62, %dma_start3A_82, %dma_start3A_83] : memref<3x2x40xi32, #tpu.memory_space<vmem>> -> memref<1x2x40xi32, #tpu.memory_space<vmem>>
        %dma_start3A_85 = tpu.memref_squeeze %dma_start3A_84 : memref<1x2x40xi32, #tpu.memory_space<vmem>> -> memref<2x40xi32, #tpu.memory_space<vmem>>
        %dma_start3A_86 = arith.constant 0 : i32
        %dma_start3A_87 = arith.constant 0 : i32
        %dma_start3A_88 = tpu.memref_slice %arg3[%dma_start3A_81, %arg0, %arg1, %add3A_48, %dma_start3A_86, %dma_start3A_87] : memref<2x2x16x125x2x40xi32, #tpu.memory_space<hbm>> -> memref<1x1x1x1x2x40xi32, #tpu.memory_space<hbm>>
        %dma_start3A_89 = tpu.memref_squeeze %dma_start3A_88 : memref<1x1x1x1x2x40xi32, #tpu.memory_space<hbm>> -> memref<2x40xi32, #tpu.memory_space<hbm>>
        %dma_start3A_90 = tpu.memref_slice %arg10[%select_n3A_62] : memref<3x!tpu.dma_semaphore, #tpu.memory_space<semaphore_mem>> -> memref<1x!tpu.dma_semaphore, #tpu.memory_space<semaphore_mem>>
        %dma_start3A_91 = tpu.memref_squeeze %dma_start3A_90 : memref<1x!tpu.dma_semaphore, #tpu.memory_space<semaphore_mem>> -> memref<!tpu.dma_semaphore, #tpu.memory_space<semaphore_mem>>
        %dma_start3A_92 = arith.constant 0 : i32
        %dma_start3A_93 = arith.constant 0 : i32
        %dma_start3A_94 = tpu.memref_slice %arg7[%select_n3A_62, %dma_start3A_92, %dma_start3A_93] : memref<3x2x40xi32, #tpu.memory_space<vmem>> -> memref<1x2x40xi32, #tpu.memory_space<vmem>>
        %dma_start3A_95 = tpu.memref_squeeze %dma_start3A_94 : memref<1x2x40xi32, #tpu.memory_space<vmem>> -> memref<2x40xi32, #tpu.memory_space<vmem>>
        %dma_start3A_96 = arith.constant 0 : i32
        %dma_start3A_97 = arith.constant 0 : i32
        %dma_start3A_98 = tpu.memref_slice %arg3[%dma_start3A_81, %arg0, %arg1, %add3A_48, %dma_start3A_96, %dma_start3A_97] : memref<2x2x16x125x2x40xi32, #tpu.memory_space<hbm>> -> memref<1x1x1x1x2x40xi32, #tpu.memory_space<hbm>>
        %dma_start3A_99 = tpu.memref_squeeze %dma_start3A_98 : memref<1x1x1x1x2x40xi32, #tpu.memory_space<hbm>> -> memref<2x40xi32, #tpu.memory_space<hbm>>
        tpu.enqueue_dma source(%dma_start3A_99 : memref<2x40xi32, #tpu.memory_space<hbm>>) target(%dma_start3A_95 : memref<2x40xi32, #tpu.memory_space<vmem>>) target_semaphore(%dma_start3A_91 : memref<!tpu.dma_semaphore, #tpu.memory_space<semaphore_mem>>)
      } else {
      }
    }
    %scan3A_20 = arith.constant 252 : i32
    %barrier3A_21 = arith.constant 0 : index
    tpu.barrier barrier_id(%barrier3A_21)
    "tpu.region"() ({
      %run_scoped3A_22 = tpu.sem_alloc : memref<!tpu.dma_semaphore, #tpu.memory_space<semaphore_mem>>
      %dma_start3A = arith.constant 0 : i32
      %dma_start3A_23 = tpu.memref_slice %arg4[%arg0, %mul3A_0, %dma_start3A] : memref<2x10112x128xf32, #tpu.memory_space<hbm>> -> memref<1x632x128xf32, #tpu.memory_space<hbm>>
      %dma_start3A_24 = tpu.memref_squeeze %dma_start3A_23 : memref<1x632x128xf32, #tpu.memory_space<hbm>> -> memref<632x128xf32, #tpu.memory_space<hbm>>
      %dma_start3A_25 = arith.constant 0 : i32
      %dma_start3A_26 = tpu.memref_slice %arg5[%mul3A_0, %dma_start3A_25] : memref<10112x128xf32, #tpu.memory_space<vmem_shared>> -> memref<632x128xf32, #tpu.memory_space<vmem_shared>>
      tpu.enqueue_dma source(%dma_start3A_26 : memref<632x128xf32, #tpu.memory_space<vmem_shared>>) target(%dma_start3A_24 : memref<632x128xf32, #tpu.memory_space<hbm>>) target_semaphore(%run_scoped3A_22 : memref<!tpu.dma_semaphore, #tpu.memory_space<semaphore_mem>>)
      %dma_wait3A = arith.constant 0 : i32
      %dma_wait3A_27 = tpu.memref_slice %arg4[%arg0, %mul3A_0, %dma_wait3A] : memref<2x10112x128xf32, #tpu.memory_space<hbm>> -> memref<1x632x128xf32, #tpu.memory_space<hbm>>
      %dma_wait3A_28 = tpu.memref_squeeze %dma_wait3A_27 : memref<1x632x128xf32, #tpu.memory_space<hbm>> -> memref<632x128xf32, #tpu.memory_space<hbm>>
      %dma_wait3A_29 = arith.constant 0 : i32
      %dma_wait3A_30 = tpu.memref_slice %arg5[%mul3A_0, %dma_wait3A_29] : memref<10112x128xf32, #tpu.memory_space<vmem_shared>> -> memref<632x128xf32, #tpu.memory_space<vmem_shared>>
      tpu.wait_dma2 semaphore(%run_scoped3A_22 : memref<!tpu.dma_semaphore, #tpu.memory_space<semaphore_mem>>) src(%dma_wait3A_30 : memref<632x128xf32, #tpu.memory_space<vmem_shared>>) dst(%dma_wait3A_28 : memref<632x128xf32, #tpu.memory_space<hbm>>)
      tpu.yield
    }) : () -> ()
    return
  }
}

module attributes {stable_mosaic.version = 14 : i64} {
  func.func @_tc_body(%arg0: i32, %arg1: memref<1x1xf32, #tpu.memory_space<vmem>>, %arg2: memref<2000x128xf32, #tpu.memory_space<vmem>>, %arg3: memref<2x2000x128xf32, #tpu.memory_space<vmem>>, %arg4: memref<128x128xf32, #tpu.memory_space<vmem>>, %arg5: memref<1x128xf32, #tpu.memory_space<vmem>>, %arg6: memref<128x128xf32, #tpu.memory_space<vmem>>, %arg7: memref<1x128xf32, #tpu.memory_space<vmem>>, %arg8: memref<1x128xf32, #tpu.memory_space<vmem>>, %arg9: memref<1x128xf32, #tpu.memory_space<vmem>>, %arg10: memref<2000x128xf32, #tpu.memory_space<vmem>>) attributes {dimension_semantics = [#tpu.dimension_semantics<arbitrary>], iteration_bounds = array<i64: 5>, scalar_prefetch = 0 : i64, scratch_operands = 0 : i64, tpu.core_type = #tpu.core_type<tc>, window_params = [{pipeline_mode = #tpu.pipeline_mode<synchronous>, transform_indices = @transform_0, window_bounds = array<i64: 1, 1>}, {transform_indices = @transform_1, window_bounds = array<i64: 2000, 128>}, {transform_indices = @transform_2, window_bounds = array<i64: 2, 2000, 128>}, {pipeline_mode = #tpu.pipeline_mode<synchronous>, transform_indices = @transform_3, window_bounds = array<i64: 128, 128>}, {pipeline_mode = #tpu.pipeline_mode<synchronous>, transform_indices = @transform_4, window_bounds = array<i64: 1, 128>}, {pipeline_mode = #tpu.pipeline_mode<synchronous>, transform_indices = @transform_5, window_bounds = array<i64: 128, 128>}, {pipeline_mode = #tpu.pipeline_mode<synchronous>, transform_indices = @transform_6, window_bounds = array<i64: 1, 128>}, {pipeline_mode = #tpu.pipeline_mode<synchronous>, transform_indices = @transform_7, window_bounds = array<i64: 1, 128>}, {pipeline_mode = #tpu.pipeline_mode<synchronous>, transform_indices = @transform_8, window_bounds = array<i64: 1, 128>}, {transform_indices = @transform_9, window_bounds = array<i64: 2000, 128>}]} {
    %get3A = arith.constant 0 : index
    %get3A_0 = arith.constant 0 : index
    %get3A_1 = vector.load %arg2[%get3A, %get3A_0] : memref<2000x128xf32, #tpu.memory_space<vmem>>, vector<2000x128xf32>
    %get3A_2 = arith.constant 0 : index
    %get3A_3 = arith.constant 0 : index
    %get3A_4 = vector.load %arg1[%get3A_2, %get3A_3] : memref<1x1xf32, #tpu.memory_space<vmem>>, vector<1x1xf32>
    %get3A_5 = vector.extract %get3A_4[0, 0] : f32 from vector<1x1xf32>
    %add3A = arith.constant 1.000000e+00 : f32
    %add3A_6 = arith.addf %add3A, %get3A_5 : f32
    %mul3A = vector.broadcast %add3A_6 : f32 to vector<2000x128xf32>
    %mul3A_7 = arith.mulf %mul3A, %get3A_1 : vector<2000x128xf32>
    %get3A_8 = arith.constant 0 : index
    %get3A_9 = arith.constant 0 : index
    %get3A_10 = arith.constant 0 : index
    %get3A_11 = vector.load %arg3[%get3A_8, %get3A_9, %get3A_10] : memref<2x2000x128xf32, #tpu.memory_space<vmem>>, vector<1x2000x128xf32>
    %get3A_12 = vector.shape_cast %get3A_11 : vector<1x2000x128xf32> to vector<2000x128xf32>
    %add3A_13 = arith.addf %mul3A_7, %get3A_12 : vector<2000x128xf32>
    %get3A_14 = arith.constant 1 : index
    %get3A_15 = arith.constant 0 : index
    %get3A_16 = arith.constant 0 : index
    %get3A_17 = vector.load %arg3[%get3A_14, %get3A_15, %get3A_16] : memref<2x2000x128xf32, #tpu.memory_space<vmem>>, vector<1x2000x128xf32>
    %get3A_18 = vector.shape_cast %get3A_17 : vector<1x2000x128xf32> to vector<2000x128xf32>
    %add3A_19 = arith.addf %add3A_13, %get3A_18 : vector<2000x128xf32>
    %get3A_20 = arith.constant 0 : index
    %get3A_21 = arith.constant 0 : index
    %get3A_22 = vector.load %arg4[%get3A_20, %get3A_21] : memref<128x128xf32, #tpu.memory_space<vmem>>, vector<128x128xf32>
    %dot_general3A = arith.constant dense<0.000000e+00> : vector<2000x128xf32>
    %dot_general3A_23 = tpu.matmul %add3A_19, %get3A_22, %dot_general3A {dimension_numbers = #tpu.dot_dimension_numbers<[1], [0], [0], [1], [0, 0, 1, 1], [], []>, transpose_lhs_hint = false} : vector<2000x128xf32>, vector<128x128xf32>, vector<2000x128xf32> -> vector<2000x128xf32>
    %get3A_24 = arith.constant 0 : index
    %get3A_25 = arith.constant 0 : index
    %get3A_26 = vector.load %arg5[%get3A_24, %get3A_25] : memref<1x128xf32, #tpu.memory_space<vmem>>, vector<1x128xf32>
    %add3A_27 = vector.broadcast %get3A_26 : vector<1x128xf32> to vector<2000x128xf32>
    %add3A_28 = arith.addf %dot_general3A_23, %add3A_27 : vector<2000x128xf32>
    %max3A = arith.constant 0.000000e+00 : f32
    %max3A_29 = vector.broadcast %max3A : f32 to vector<2000x128xf32>
    %max3A_30 = arith.maximumf %add3A_28, %max3A_29 : vector<2000x128xf32>
    %get3A_31 = arith.constant 0 : index
    %get3A_32 = arith.constant 0 : index
    %get3A_33 = vector.load %arg6[%get3A_31, %get3A_32] : memref<128x128xf32, #tpu.memory_space<vmem>>, vector<128x128xf32>
    %dot_general3A_34 = arith.constant dense<0.000000e+00> : vector<2000x128xf32>
    %dot_general3A_35 = tpu.matmul %max3A_30, %get3A_33, %dot_general3A_34 {dimension_numbers = #tpu.dot_dimension_numbers<[1], [0], [0], [1], [0, 0, 1, 1], [], []>, transpose_lhs_hint = false} : vector<2000x128xf32>, vector<128x128xf32>, vector<2000x128xf32> -> vector<2000x128xf32>
    %get3A_36 = arith.constant 0 : index
    %get3A_37 = arith.constant 0 : index
    %get3A_38 = vector.load %arg7[%get3A_36, %get3A_37] : memref<1x128xf32, #tpu.memory_space<vmem>>, vector<1x128xf32>
    %add3A_39 = vector.broadcast %get3A_38 : vector<1x128xf32> to vector<2000x128xf32>
    %add3A_40 = arith.addf %dot_general3A_35, %add3A_39 : vector<2000x128xf32>
    %add3A_41 = arith.addf %add3A_40, %get3A_1 : vector<2000x128xf32>
    %reduce_sum3A = arith.constant dense<0.000000e+00> : vector<2000xf32>
    %reduce_sum3A_42 = vector.multi_reduction <add>, %add3A_41, %reduce_sum3A [1] : vector<2000x128xf32> to vector<2000xf32>
    %broadcast_in_dim3A = vector.shape_cast %reduce_sum3A_42 : vector<2000xf32> to vector<2000x1xf32>
    %div3A = arith.constant 1.280000e+02 : f32
    %div3A_43 = vector.broadcast %div3A : f32 to vector<2000x1xf32>
    %div3A_44 = arith.divf %broadcast_in_dim3A, %div3A_43 : vector<2000x1xf32>
    %sub3A = vector.broadcast %div3A_44 : vector<2000x1xf32> to vector<2000x128xf32>
    %sub3A_45 = arith.subf %add3A_41, %sub3A : vector<2000x128xf32>
    %mul3A_46 = arith.mulf %sub3A_45, %sub3A_45 : vector<2000x128xf32>
    %reduce_sum3A_47 = arith.constant dense<0.000000e+00> : vector<2000xf32>
    %reduce_sum3A_48 = vector.multi_reduction <add>, %mul3A_46, %reduce_sum3A_47 [1] : vector<2000x128xf32> to vector<2000xf32>
    %broadcast_in_dim3A_49 = vector.shape_cast %reduce_sum3A_48 : vector<2000xf32> to vector<2000x1xf32>
    %div3A_50 = arith.constant 1.280000e+02 : f32
    %div3A_51 = vector.broadcast %div3A_50 : f32 to vector<2000x1xf32>
    %div3A_52 = arith.divf %broadcast_in_dim3A_49, %div3A_51 : vector<2000x1xf32>
    %add3A_53 = arith.constant 9.99999974E-6 : f32
    %add3A_54 = vector.broadcast %add3A_53 : f32 to vector<2000x1xf32>
    %add3A_55 = arith.addf %div3A_52, %add3A_54 : vector<2000x1xf32>
    %rsqrt3A = math.rsqrt %add3A_55 : vector<2000x1xf32>
    %mul3A_56 = vector.broadcast %rsqrt3A : vector<2000x1xf32> to vector<2000x128xf32>
    %mul3A_57 = arith.mulf %sub3A_45, %mul3A_56 : vector<2000x128xf32>
    %get3A_58 = arith.constant 0 : index
    %get3A_59 = arith.constant 0 : index
    %get3A_60 = vector.load %arg8[%get3A_58, %get3A_59] : memref<1x128xf32, #tpu.memory_space<vmem>>, vector<1x128xf32>
    %mul3A_61 = vector.broadcast %get3A_60 : vector<1x128xf32> to vector<2000x128xf32>
    %mul3A_62 = arith.mulf %mul3A_57, %mul3A_61 : vector<2000x128xf32>
    %get3A_63 = arith.constant 0 : index
    %get3A_64 = arith.constant 0 : index
    %get3A_65 = vector.load %arg9[%get3A_63, %get3A_64] : memref<1x128xf32, #tpu.memory_space<vmem>>, vector<1x128xf32>
    %add3A_66 = vector.broadcast %get3A_65 : vector<1x128xf32> to vector<2000x128xf32>
    %add3A_67 = arith.addf %mul3A_62, %add3A_66 : vector<2000x128xf32>
    %max3A_68 = arith.constant 0.000000e+00 : f32
    %max3A_69 = vector.broadcast %max3A_68 : f32 to vector<2000x128xf32>
    %max3A_70 = arith.maximumf %add3A_67, %max3A_69 : vector<2000x128xf32>
    %swap3A = arith.constant 0 : index
    %swap3A_71 = arith.constant 0 : index
    %swap3A_72 = vector.load %arg10[%swap3A, %swap3A_71] : memref<2000x128xf32, #tpu.memory_space<vmem>>, vector<2000x128xf32>
    tpu.vector_store %arg10[%swap3A, %swap3A_71], %max3A_70 {strides = array<i32>} : memref<2000x128xf32, #tpu.memory_space<vmem>>, vector<2000x128xf32>,
    return
  }
  func.func @transform_0(%arg0: i32) -> (i32, i32) {
    %c0_i32 = arith.constant 0 : i32
    %c0_i32_0 = arith.constant 0 : i32
    %c0_i32_1 = arith.constant 0 : i32
    return %c0_i32, %c0_i32_0 : i32, i32
  }
  func.func @transform_1(%arg0: i32) -> (i32, i32) {
    %c0_i32 = arith.constant 0 : i32
    %c0_i32_0 = arith.constant 0 : i32
    return %arg0, %c0_i32 : i32, i32
  }
  func.func @transform_2(%arg0: i32) -> (i32, i32, i32) {
    %c0_i32 = arith.constant 0 : i32
    %c0_i32_0 = arith.constant 0 : i32
    %c0_i32_1 = arith.constant 0 : i32
    return %c0_i32, %arg0, %c0_i32_0 : i32, i32, i32
  }
  func.func @transform_3(%arg0: i32) -> (i32, i32) {
    %c0_i32 = arith.constant 0 : i32
    %c0_i32_0 = arith.constant 0 : i32
    %c0_i32_1 = arith.constant 0 : i32
    return %c0_i32, %c0_i32_0 : i32, i32
  }
  func.func @transform_4(%arg0: i32) -> (i32, i32) {
    %c0_i32 = arith.constant 0 : i32
    %c0_i32_0 = arith.constant 0 : i32
    %c0_i32_1 = arith.constant 0 : i32
    return %c0_i32, %c0_i32_0 : i32, i32
  }
  func.func @transform_5(%arg0: i32) -> (i32, i32) {
    %c0_i32 = arith.constant 0 : i32
    %c0_i32_0 = arith.constant 0 : i32
    %c0_i32_1 = arith.constant 0 : i32
    return %c0_i32, %c0_i32_0 : i32, i32
  }
  func.func @transform_6(%arg0: i32) -> (i32, i32) {
    %c0_i32 = arith.constant 0 : i32
    %c0_i32_0 = arith.constant 0 : i32
    %c0_i32_1 = arith.constant 0 : i32
    return %c0_i32, %c0_i32_0 : i32, i32
  }
  func.func @transform_7(%arg0: i32) -> (i32, i32) {
    %c0_i32 = arith.constant 0 : i32
    %c0_i32_0 = arith.constant 0 : i32
    %c0_i32_1 = arith.constant 0 : i32
    return %c0_i32, %c0_i32_0 : i32, i32
  }
  func.func @transform_8(%arg0: i32) -> (i32, i32) {
    %c0_i32 = arith.constant 0 : i32
    %c0_i32_0 = arith.constant 0 : i32
    %c0_i32_1 = arith.constant 0 : i32
    return %c0_i32, %c0_i32_0 : i32, i32
  }
  func.func @transform_9(%arg0: i32) -> (i32, i32) {
    %c0_i32 = arith.constant 0 : i32
    %c0_i32_0 = arith.constant 0 : i32
    return %arg0, %c0_i32 : i32, i32
  }
}

</mosaic_0001>

<sc_bundles>
// kernel: kernel.4.cloned.1.call-start
scs
__scs_entry_jumppad:
0x0: {  	(pc) =	sbr.rel $0x88, $3  }
0x1: {  	(tag) =	ssettag $0x0;
	lr =	simm.s32 $0x1  }
0x2: {  	[smem:$0x3F98] =	sst lr;
	_ =	strace $0xD0000000  }
0x3: {  	_ = 	snop  }
0x4: {  	_ = 	snop  }
0x5: {  	_ = 	snop  }
0x6: {  	_ = 	snop  }
0x7: {  	_ = 	snop  }
__scs_overlays_trampoline_lowered:
0x8: {  	[smem:$0x3FA7] =	sst s0  }
0x9: {  	[smem:$0x3FA8] =	sst s1  }
0xa: {  	[smem:$0x3FA9] =	sst s2  }
0xb: {  	[smem:$0x3FAA] =	sst s3  }
0xc: {  	[smem:$0x3FAB] =	sst s4  }
0xd: {  	[smem:$0x3FAC] =	sst s5  }
0xe: {  	[smem:$0x3FAD] =	sst s6  }
0xf: {  	[smem:$0x3FAE] =	sst s7  }
0x10: {  	[smem:$0x3FAF] =	sst s8  }
0x11: {  	[smem:$0x3FB0] =	sst s9;
	s0 =	simm.s32 @!p0 $0x0  }
0x12: {  	s1 =	sld [smem:$0x3F96];
	s0 =	simm.s32 @p0 $0x1  }
0x13: {  	[smem:$0x3FB1] =	sst s0;
	s0 =	simm.s32 @!p1 $0x0  }
0x14: {  	s2 =	sld [smem:$0x3F95];
	s0 =	simm.s32 @p1 $0x1  }
0x15: {  	[smem:$0x3FB2] =	sst s0;
	s0 =	simm.s32 @!p2 $0x0  }
0x16: {  	s3 =	sld [smem:$0x3FDB];
	s0 =	simm.s32 @p2 $0x1  }
0x17: {  	s4 =	simm.s32 $0x1BF5;
	[smem:$0x3FB4] =	sst s0  }
0x18: {  	s0 =	sld [smem:$0x3F97];
	_ =	swait.ge [sflag:s4], $0x0  }
0x19: {  	s7 =	sld [smem:$0x3F98]  }
0x1a: {  	s8 =	sadd.s32 $0xFFFFE003, lr  }
0x1b: {  	s9 =	sadd.s32 $0xFFFFFEF7, lr;
	s5 =	simm.s32 $0xFFFFFFFF;
	p2 =	slt.u32 s8, $0xFFFFF086  }
0x1c: {  	p1 =	slt.u32 s9, $0xF7A;
	s5 =	simm.s32 @!p2 $0x0  }
0x1d: {  	s5 =	simm.s32 @p1 $0x1;
	p0 =	seq.s32 s7, s2  }
0x1e: {  	s7 =	smul.u32 @!p0 $0xF7A, s2;
	p2 =	seq.s32 @!p0 s5, $0x0  }
0x1f: {  	s9 =	smul.u32 $0xF7A, s1;
	s8 =	simm.s32 @!p0 $0x1BF5;
	p2 =	por !p2, p0  }
0x20: {  	[sflag:s8] =	ssyncset.s32 @!p0 $0xFFFFF086;
	s6 =	sadd.s32 @!p0 s3, s7;
	s7 =	simm.s32 @!p0 $0x108  }
0x21: {  	s3 =	sadd.s32 s3, s9;
	s6 =	sadd.s32 @!p0 $0x88, s6;
	s7 =	simm.s32 @p2 $0x1082  }
0x22: {  	[simem:s7], [sflag:s8] =	dma.local @!p0 [hbm:s6], $0xF7A  }
0x23: {  	s9 =	sor.u32 $0xD0000000, s2;
	s6 =	simm.s32 $0x108;
	_ =	swait.ge @!p0 [sflag:s8], $0x0  }
0x24: {  	s3 =	sadd.s32 $0x88, s3;
	s6 =	simm.s32 @!p1 $0x1082;
	[sflag:s4] =	ssyncset.s32 $0xFFFFF086  }
0x25: {  	[simem:s6], [sflag:s4] =	dma.local [hbm:s3], $0xF7A  }
0x26: {  	[smem:$0x3F98] =	sst s1;
	(tag) =	ssettag s2;
	_ =	strace s9  }
0x27: {  	s1 =	sld [smem:$0x3FA8]  }
0x28: {  	s2 =	sld [smem:$0x3FA9]  }
0x29: {  	s4 =	sld [smem:$0x3FAB]  }
0x2a: {  	p0 =	seq.s32 s5, $0x0;
	s5 =	sld [smem:$0x3FAC]  }
0x2b: {  	s6 =	sld [smem:$0x3FAD]  }
0x2c: {  	s7 =	sld [smem:$0x3FAE]  }
0x2d: {  	s3 =	simm.s32 $0x108;
	s8 =	sld [smem:$0x3FAF]  }
0x2e: {  	s3 =	simm.s32 @!p0 $0x1082;
	s9 =	sld [smem:$0x3FB0]  }
0x2f: {  	lr =	sadd.s32 s0, s3;
	s0 =	sld [smem:$0x3FA7]  }
0x30: {  	s3 =	sld [smem:$0x3FAA]  }
0x31: {  	[smem:$0x3FB3] =	sst s10  }
0x32: {  	s10 =	sld [smem:$0x3FB1];
	_ =	sdelay $0x3  }
0x33: {  	p0 =	seq.s32 s10, $0x1;
	s10 =	sld [smem:$0x3FB3];
	_ =	sdelay $0x3  }
0x34: {  	[smem:$0x3FB3] =	sst s10  }
0x35: {  	s10 =	sld [smem:$0x3FB2];
	_ =	sdelay $0x3  }
0x36: {  	p1 =	seq.s32 s10, $0x1;
	s10 =	sld [smem:$0x3FB3];
	_ =	sdelay $0x3  }
0x37: {  	[smem:$0x3FB3] =	sst s10  }
0x38: {  	s10 =	sld [smem:$0x3FB4]  }
0x39: {  	_ = 	snop;
	(pc) =	sbr.ind lr, $3  }
0x3a: {  	_ = 	snop  }
0x3b: {  	_ = 	snop  }
0x3c: {  	p2 =	seq.s32 s10, $0x1;
	s10 =	sld [smem:$0x3FB3]  }
0x3d: {  	_ =	shalt  }
0x3e: {  	_ =	shalt  }
0x3f: {  	_ =	shalt  }
0x40: {  	_ =	shalt  }
0x41: {  	_ =	shalt  }
0x42: {  	_ =	shalt  }
0x43: {  	_ =	shalt  }
0x44: {  	_ =	shalt  }
0x45: {  	_ =	shalt  }
0x46: {  	_ =	shalt  }
0x47: {  	_ =	shalt  }
0x48: {  	_ =	shalt  }
0x49: {  	_ =	shalt  }
0x4a: {  	_ =	shalt  }
0x4b: {  	_ =	shalt  }
0x4c: {  	_ =	shalt  }
0x4d: {  	_ =	shalt  }
0x4e: {  	_ =	shalt  }
0x4f: {  	_ =	shalt  }
0x50: {  	_ =	shalt  }
0x51: {  	_ =	shalt  }
0x52: {  	_ =	shalt  }
0x53: {  	_ =	shalt  }
0x54: {  	_ =	shalt  }
0x55: {  	_ =	shalt  }
0x56: {  	_ =	shalt  }
0x57: {  	_ =	shalt  }
0x58: {  	_ =	shalt  }
0x59: {  	_ =	shalt  }
0x5a: {  	_ =	shalt  }
0x5b: {  	_ =	shalt  }
0x5c: {  	_ =	shalt  }
0x5d: {  	_ =	shalt  }
0x5e: {  	_ =	shalt  }
0x5f: {  	_ =	shalt  }
0x60: {  	_ =	shalt  }
0x61: {  	_ =	shalt  }
0x62: {  	_ =	shalt  }
0x63: {  	_ =	shalt  }
0x64: {  	_ =	shalt  }
0x65: {  	_ =	shalt  }
0x66: {  	_ =	shalt  }
0x67: {  	_ =	shalt  }
0x68: {  	_ =	shalt  }
0x69: {  	_ =	shalt  }
0x6a: {  	_ =	shalt  }
0x6b: {  	_ =	shalt  }
0x6c: {  	_ =	shalt  }
0x6d: {  	_ =	shalt  }
0x6e: {  	_ =	shalt  }
0x6f: {  	_ =	shalt  }
0x70: {  	_ =	shalt  }
0x71: {  	_ =	shalt  }
0x72: {  	_ =	shalt  }
0x73: {  	_ =	shalt  }
0x74: {  	_ =	shalt  }
0x75: {  	_ =	shalt  }
0x76: {  	_ =	shalt  }
0x77: {  	_ =	shalt  }
0x78: {  	_ =	shalt  }
0x79: {  	_ =	shalt  }
0x7a: {  	_ =	shalt  }
0x7b: {  	_ =	shalt  }
0x7c: {  	_ =	shalt  }
0x7d: {  	_ =	shalt  }
0x7e: {  	_ =	shalt  }
0x7f: {  	_ =	shalt  }
0x80: {  	_ =	shalt  }
0x81: {  	_ =	shalt  }
0x82: {  	_ =	shalt  }
0x83: {  	_ =	shalt  }
0x84: {  	_ =	shalt  }
0x85: {  	_ =	shalt  }
0x86: {  	_ =	shalt  }
0x87: {  	_ =	shalt  }
.Lfunc_end0:
.L_simem_size_0:
called_computation_lowered:
.L_overlay_start_0:
0x88: {  	s2 =	sld [smem:$0x3FD9]  }
0x89: {  	s3 =	sld [smem:$0x3FFE];
	_ =	sdelay $0x1  }
0x8a: {  	s1 =	srdreg.scid  }
0x8b: {  	s0 =	sand.u32 $0x1, s1  }
0x8c: {  	s17 =	sshll.u32 s0, $0xA;
	s2 =	sadd.s32 s3, s2  }
0x8d: {  	s2 =	sadd.s32 s2, s17  }
0x8e: {  	[smem:$0x3FBF] =	sst s2  }
0x8f: {  	_ = 	snop  }
0x90: {  	s2 =	sld [smem:$0x3FC9];
	(tm) =	ssettm $0x1  }
0x91: {  	s18 =	sld [smem:$0x3FFB];
	_ =	sdelay $0x3  }
0x92: {  	_ =	strace s18  }
0x93: {  	s3 =	sld [smem:$0x3FFC];
	_ =	sdelay $0x3  }
0x94: {  	_ =	strace s3  }
0x95: {  	s3 =	sld [smem:$0x3FFD];
	_ =	sdelay $0x3  }
0x96: {  	_ =	strace s3  }
0x97: {  	_ =	strace $0x8FFFFFFF  }
0x98: {  	s19 =	sld [smem:$0x3FDB];
	_ =	sdelay $0x1  }
0x99: {  	s4 =	simm.s32 $_scs_section_size  }
0x9a: {  	s5 =	simm.s32 $_size__tile_overlayer_lowered;
	s6 =	simm.s32 $_tile_overlayer_lowered  }
0x9b: {  	s22 =	simm.s32 $0x1BFF;
	s21 =	sshll.u32 s6, $0x1;
	s3 =	sadd.s32 s4, s19  }
0x9c: {  	s7 =	simm.s32 $0x0;
	s20 =	sshll.u32 s5, $0x1;
	s5 =	sadd.s32 s21, s3  }
0x9d: {  	[timem:s7], [sflag:s22] =	dma.local [hbm:s5], s20  }
0x9e: {  	_ =	swait.ge [sflag:s22], s20  }
0x9f: {  	s4 =	ssub.s32 $0x0, s20;
	[sflag:s22] =	ssyncset.done $0x0  }
0xa0: {  	[sflag:s22] =	ssyncadd.s32 s4;
	_ =	sdelay $0x1  }
0xa1: {  	s23 =	simm.s32 $0x1B8B  }
0xa2: {  	_ =	swait.ge [sflag:s23], $0x1  }
0xa3: {  	[sflag:s23] =	ssyncset.done $0x0  }
0xa4: {  	s25 =	simm.s32 $0x1B8E;
	s24 =	sld [smem:$0x3FFE];
	[sflag:s23] =	ssyncadd.s32 $0xFFFFFFFF  }
0xa5: {  	s26 =	simm.s32 $execute0_lowered;
	[smem:$0x3FD2] =	sst s25  }
0xa6: {  	s5 =	sshll.u32 s26, $0x1;
	_ =	strace $0x80000046;
	[dreg:$0x1] =	wrdreg $0xFFFFFFFF  }
0xa7: {  	s28 =	simm.s32 $_size_execute0_lowered;
	s3 =	sadd.s32 s3, s5;
	[dreg:$0x0] =	wrdreg $0x0  }
0xa8: {  	s5 =	sshll.u32 s28, $0x1;
	[dreg:$0x2] =	wrdreg s3  }
0xa9: {  	[dreg:$0x3] =	wrdreg s5  }
0xaa: {  	[dreg:$0x4] =	wrdreg $0xC0  }
0xab: {  	_ =	task [dreg:s7], $0x5FFFF  }
0xac: {  	[dreg:$0x1] =	wrdreg $0xFFFFFFFF  }
0xad: {  	[dreg:$0x0] =	wrdreg $0x60  }
0xae: {  	[dreg:$0x2] =	wrdreg s2  }
0xaf: {  	[dreg:$0x3] =	wrdreg s24  }
0xb0: {  	[dreg:$0x4] =	wrdreg $0x0  }
0xb1: {  	[dreg:$0x5] =	wrdreg $0x9  }
0xb2: {  	_ =	task.clear_ibuf [dreg:s7], $0x6FFFF;
	_ =	strace $0x90000046  }
0xb3: {  	s29 =	simm.s32 $0x9;
	_ =	strace $0x80000048  }
0xb4: {  	_ =	swait.ge [sflag:s29], $0x1  }
0xb5: {  	[sflag:s29] =	ssyncadd.s32 $0xFFFFFFFF  }
0xb6: {  	_ =	strace $0x90000048  }
0xb7: {  	_ =	sfence  }
0xb8: {  	s30 =	sld [smem:$0x0];
	_ =	sdelay $0x2  }
0xb9: {  	s31 =	sshll.u32 s1, $0xD;
	s1 =	sshrl.u32 s1, $0x2  }
0xba: {  	s3 =	sand.u32 $0x4000, s31;
	s1 =	sadd.s32 s1, s30  }
0xbb: {  	s0 =	sor.u32 s3, s0;
	s1 =	sshll.u32 s1, $0x11  }
0xbc: {  	s0 =	sor.u32 s1, s0  }
0xbd: {  	s0 =	sadd.s32 $0x8F2B, s0  }
0xbe: {  	[sflag:s0] =	ssyncadd.remote.s32 $0x1  }
0xbf: {  	_ =	sfence.sel $0xFFFF  }
0xc0: {  	[dreg:$0x0] =	wrdreg $0xFFFFFFFF;
	(pc) =	sbr.abs _section_cstart, $3  }
0xc1: {  	[dreg:$0x1] =	wrdreg $0xFFFFFFFF  }
0xc2: {  	_ =	task.clear_ibuf [dreg:s7], $0x2FFFF;
	_ =	strace $0x9FFFFFFF  }
0xc3: {  	(tm) =	ssettm $0x7FFFFFFF  }
tec
execute0_lowered:
.L_overlay_start_1:
0x0: {  	(tag) =	ssettag $0x1  }
0x1: {  	s1 =	rddreg [dreg:$0x0]  }
0x2: {  	s0 =	srdreg.scid;
	s9 =	stileid.u32  }
0x3: {  	s2 =	rddreg [dreg:$0x1];
	s6 =	smul.u32 $0x13C00, s9  }
0x4: {  	s3 =	rddreg [dreg:$0x2];
	s4 =	simm.s32 $0x0;
	s16 =	smul.u32 $0x7D00, s9  }
0x5: {  	s30 =	simm.s32 $0x14200;
	s0 =	sand.u32 $0x1, s0;
	s9 =	smul.u32 $0x4F000, s9  }
0x6: {  	s31 =	simm.s32 $0x7;
	[smem:$0x7FF] =	sst s4;
	s5 =	smul.u32 $0x13C000, s0  }
0x7: {  	s7 =	smul.u32 $0x7D000, s0;
	_ =	strace $0x80000047;
	s0 =	ssub.s32 $0x2, s0  }
0x8: {  	s17 =	sshrl.u32 s9, $0x2;
	s18 =	sshrl.u32 s0, $0x1;
	s5 =	sadd.s32 s6, s5  }
0x9: {  	s6 =	sadd.s32 s16, s7;
	s7 =	sadd.s32 s17, s3;
	s0 =	ssub.s32 s0, s18  }
0xa: {  	s8 =	sshrl.u32 s5, $0x3;
	s5 =	sadd.s32 $0x1A00, s2;
	s20 =	sadd.s32 $0x12C00, s7  }
0xb: {  	s19 =	sshrl.u32 s6, $0x3;
	s0 =	smax.u32 s0, $0x1;
	[dreg:$0x4] =	wrdreg s20  }
0xc: {  	s24 =	sadd.s32 $0x1400, s7;
	s25 =	sadd.s32 $0x2800, s7;
	[dreg:$0x6] =	wrdreg s0  }
0xd: {  	s26 =	sadd.s32 $0x3C00, s7;
	s18 =	sadd.s32 $0x5000, s7;
	[dreg:$0xa] =	wrdreg s24  }
0xe: {  	s28 =	sadd.s32 $0x10400, s7;
	s29 =	sadd.s32 $0x11800, s7;
	[dreg:$0xb] =	wrdreg s25  }
0xf: {  	s2 =	sadd.s32 s8, s2;
	s9 =	sadd.s32 s5, s19;
	[dreg:$0xc] =	wrdreg s26  }
0x10: {  	s19 =	sadd.s32 $0x6400, s7;
	s20 =	sadd.s32 $0x7800, s7;
	s2 =	sadd.s32 $0x40200, s2  }
0x11: {  	s24 =	sadd.s32 $0xC800, s7;
	s21 =	sadd.s32 $0x1F400, s9;
	[dreg:$0x5] =	wrdreg s2  }
0x12: {  	s25 =	sadd.s32 $0xDC00, s7;
	s22 =	sadd.s32 $0x20, s9;
	[dreg:$0x7] =	wrdreg s21  }
0x13: {  	s26 =	sadd.s32 $0xF000, s7;
	s23 =	sadd.s32 $0x1F420, s9;
	[dreg:$0x8] =	wrdreg s22  }
0x14: {  	s0 =	simm.s32 $0x0;
	[dreg:$0x9] =	wrdreg s23;
	s21 =	sadd.s32 $0x8C00, s7  }
0x15: {  	v0 =	vimm.f32 $0.0e+00;
	s22 =	sadd.s32 $0xA000, s7;
	s23 =	sadd.s32 $0xB400, s7;
	s2 =	simm.s32 $0x28  }
.LBB2_1:
0x16: {  	s8 =	simm.s32 $0x13C00  }
0x17: {  	[tilespmem:s8], [sflag:$0x4] =	stream.linear.gather [hbm4b:s9+s4], $0x100, $0x38;
	[tilespmem:$0x17E00] =	vst v63  }
0x18: {  	s13 =	rddreg [dreg:$0x7];
	s10 =	simm.s32 $0x13F00  }
0x19: {  	[tilespmem:s10], [sflag:$0x4] =	stream.linear.gather [hbm4b:s13+s4], $0x100, $0x38;
	[tilespmem:$0x17E00] =	vst v63  }
0x1a: {  	s14 =	rddreg [dreg:$0x8];
	s15 =	simm.s32 $0x13D00  }
0x1b: {  	[tilespmem:s15], [sflag:$0x5] =	stream.linear.gather [hbm4b:s14+s4], $0x100, $0x38;
	[tilespmem:$0x17E00] =	vst v63  }
0x1c: {  	s16 =	rddreg [dreg:$0x9];
	s17 =	simm.s32 $0x14000;
	s8 =	simm.s32 $0x14240  }
0x1d: {  	[tilespmem:s17], [sflag:$0x5] =	stream.linear.gather [hbm4b:s16+s4], $0x100, $0x38;
	[tilespmem:$0x17E00] =	vst v63  }
0x1e: {  	[tilespmem:s8+$0xFFFFFFC0] =	vst v0  }
0x1f: {  	[tilespmem:s8+$0x30] =	vst v0  }
0x20: {  	[tilespmem:s8+$0x20] =	vst v0  }
0x21: {  	[tilespmem:s8+$0x10] =	vst v0  }
0x22: {  	[tilespmem:s8+$0x0] =	vst v0  }
0x23: {  	[tilespmem:s8+$0xFFFFFFF0] =	vst v0  }
0x24: {  	s10 =	simm.s32 $0x1;
	[tilespmem:s8+$0xFFFFFFE0] =	vst v0  }
.LBB2_2:
0x25: {  	p0 =	seq.s32 s10, $0x77;
	s10 =	sadd.s32 $0x1, s10;
	[tilespmem:s8+$0xFFFFFFD0] =	vst v0;
	s8 =	sadd.s32 $0x80, s8  }
0x26: {  	[tilespmem:s8+$0xFFFFFFC0] =	vst v0  }
0x27: {  	[tilespmem:s8+$0x30] =	vst v0  }
.Ltmp0:
0x28: {  	[tilespmem:s8+$0x20] =	vst v0;
	(pc) =	sbr.rel @!p0 .LBB2_2-.Ltmp0, $4  }
0x29: {  	[tilespmem:s8+$0x10] =	vst v0  }
0x2a: {  	[tilespmem:s8+$0x0] =	vst v0  }
0x2b: {  	[tilespmem:s8+$0xFFFFFFF0] =	vst v0  }
0x2c: {  	[tilespmem:s8+$0xFFFFFFE0] =	vst v0  }
0x2d: {  	[tilespmem:s8+$0xFFFFFFD0] =	vst v0  }
0x2e: {  	[spmem:s7] =	stream.linear.scatter [tilespmem:s30], [sflag:$0x7], $0x1400, $0x38;
	[tilespmem:$0x17E00] =	vst v63  }
0x2f: {  	_ =	swait.ge [sflag:s31], $0x1400  }
0x30: {  	[sflag:s31] =	ssyncset.done $0x0  }
0x31: {  	s14 =	rddreg [dreg:$0xa];
	[sflag:s31] =	ssyncadd.s32 $0xFFFFEC00  }
0x32: {  	[spmem:s14] =	stream.linear.scatter [tilespmem:s30], [sflag:$0x7], $0x1400, $0x38;
	[tilespmem:$0x17E00] =	vst v63  }
0x33: {  	_ =	swait.ge [sflag:s31], $0x1400  }
0x34: {  	[sflag:s31] =	ssyncset.done $0x0  }
0x35: {  	s15 =	rddreg [dreg:$0xb];
	[sflag:s31] =	ssyncadd.s32 $0xFFFFEC00  }
0x36: {  	[spmem:s15] =	stream.linear.scatter [tilespmem:s30], [sflag:$0x7], $0x1400, $0x38;
	[tilespmem:$0x17E00] =	vst v63  }
0x37: {  	_ =	swait.ge [sflag:s31], $0x1400  }
0x38: {  	[sflag:s31] =	ssyncset.done $0x0  }
0x39: {  	s16 =	rddreg [dreg:$0xc];
	[sflag:s31] =	ssyncadd.s32 $0xFFFFEC00  }
0x3a: {  	[spmem:s16] =	stream.linear.scatter [tilespmem:s30], [sflag:$0x7], $0x1400, $0x38;
	[tilespmem:$0x17E00] =	vst v63  }
0x3b: {  	_ =	swait.ge [sflag:s31], $0x1400  }
0x3c: {  	[sflag:s31] =	ssyncset.done $0x0  }
0x3d: {  	[sflag:s31] =	ssyncadd.s32 $0xFFFFEC00  }
0x3e: {  	[spmem:s18] =	stream.linear.scatter [tilespmem:s30], [sflag:$0x7], $0x1400, $0x38;
	[tilespmem:$0x17E00] =	vst v63  }
0x3f: {  	_ =	swait.ge [sflag:s31], $0x1400  }
0x40: {  	[sflag:s31] =	ssyncset.done $0x0  }
0x41: {  	[sflag:s31] =	ssyncadd.s32 $0xFFFFEC00  }
0x42: {  	[spmem:s19] =	stream.linear.scatter [tilespmem:s30], [sflag:$0x7], $0x1400, $0x38;
	[tilespmem:$0x17E00] =	vst v63  }
0x43: {  	_ =	swait.ge [sflag:s31], $0x1400  }
0x44: {  	[sflag:s31] =	ssyncset.done $0x0  }
0x45: {  	[sflag:s31] =	ssyncadd.s32 $0xFFFFEC00  }
0x46: {  	[spmem:s20] =	stream.linear.scatter [tilespmem:s30], [sflag:$0x7], $0x1400, $0x38;
	[tilespmem:$0x17E00] =	vst v63  }
0x47: {  	_ =	swait.ge [sflag:s31], $0x1400  }
0x48: {  	[sflag:s31] =	ssyncset.done $0x0  }
0x49: {  	[sflag:s31] =	ssyncadd.s32 $0xFFFFEC00  }
0x4a: {  	[spmem:s21] =	stream.linear.scatter [tilespmem:s30], [sflag:$0x7], $0x1400, $0x38;
	[tilespmem:$0x17E00] =	vst v63  }
0x4b: {  	_ =	swait.ge [sflag:s31], $0x1400  }
0x4c: {  	[sflag:s31] =	ssyncset.done $0x0  }
0x4d: {  	[sflag:s31] =	ssyncadd.s32 $0xFFFFEC00  }
0x4e: {  	[spmem:s22] =	stream.linear.scatter [tilespmem:s30], [sflag:$0x7], $0x1400, $0x38;
	[tilespmem:$0x17E00] =	vst v63  }
0x4f: {  	_ =	swait.ge [sflag:s31], $0x1400  }
0x50: {  	[sflag:s31] =	ssyncset.done $0x0  }
0x51: {  	[sflag:s31] =	ssyncadd.s32 $0xFFFFEC00  }
0x52: {  	[spmem:s23] =	stream.linear.scatter [tilespmem:s30], [sflag:$0x7], $0x1400, $0x38;
	[tilespmem:$0x17E00] =	vst v63  }
0x53: {  	_ =	swait.ge [sflag:s31], $0x1400  }
0x54: {  	[sflag:s31] =	ssyncset.done $0x0  }
0x55: {  	[sflag:s31] =	ssyncadd.s32 $0xFFFFEC00  }
0x56: {  	[spmem:s24] =	stream.linear.scatter [tilespmem:s30], [sflag:$0x7], $0x1400, $0x38;
	[tilespmem:$0x17E00] =	vst v63  }
0x57: {  	_ =	swait.ge [sflag:s31], $0x1400  }
0x58: {  	[sflag:s31] =	ssyncset.done $0x0  }
0x59: {  	[sflag:s31] =	ssyncadd.s32 $0xFFFFEC00  }
0x5a: {  	[spmem:s25] =	stream.linear.scatter [tilespmem:s30], [sflag:$0x7], $0x1400, $0x38;
	[tilespmem:$0x17E00] =	vst v63  }
0x5b: {  	_ =	swait.ge [sflag:s31], $0x1400  }
0x5c: {  	[sflag:s31] =	ssyncset.done $0x0  }
0x5d: {  	[sflag:s31] =	ssyncadd.s32 $0xFFFFEC00  }
0x5e: {  	[spmem:s26] =	stream.linear.scatter [tilespmem:s30], [sflag:$0x7], $0x1400, $0x38;
	[tilespmem:$0x17E00] =	vst v63  }
0x5f: {  	_ =	swait.ge [sflag:s31], $0x1400  }
0x60: {  	[sflag:s31] =	ssyncset.done $0x0  }
0x61: {  	[sflag:s31] =	ssyncadd.s32 $0xFFFFEC00  }
0x62: {  	[spmem:s28] =	stream.linear.scatter [tilespmem:s30], [sflag:$0x7], $0x1400, $0x38;
	[tilespmem:$0x17E00] =	vst v63  }
0x63: {  	_ =	swait.ge [sflag:s31], $0x1400  }
0x64: {  	[sflag:s31] =	ssyncset.done $0x0  }
0x65: {  	[sflag:s31] =	ssyncadd.s32 $0xFFFFEC00  }
0x66: {  	[spmem:s29] =	stream.linear.scatter [tilespmem:s30], [sflag:$0x7], $0x1400, $0x38;
	[tilespmem:$0x17E00] =	vst v63  }
0x67: {  	_ =	swait.ge [sflag:s31], $0x1400  }
0x68: {  	[sflag:s31] =	ssyncset.done $0x0  }
0x69: {  	s17 =	rddreg [dreg:$0x4];
	[sflag:s31] =	ssyncadd.s32 $0xFFFFEC00  }
0x6a: {  	[spmem:s17] =	stream.linear.scatter [tilespmem:s30], [sflag:$0x7], $0x1000, $0x38;
	[tilespmem:$0x17E00] =	vst v63  }
0x6b: {  	_ =	swait.ge [sflag:s31], $0x1000  }
0x6c: {  	[sflag:s31] =	ssyncset.done $0x0  }
0x6d: {  	[sflag:s31] =	ssyncadd.s32 $0xFFFFF000  }
0x6e: {  	s8 =	simm.s32 $0x0;
	s10 =	simm.s32 $0x0;
	[bflag:$0x0] =	sbarrier.arrive $0xFFFF  }
.LBB2_4:
0x6f: {  	s11 =	sshrl.u32 s10, $0x1;
	p0 =	sgt.u32 s10, $0xF9  }
0x70: {  	s12 =	smul.u32 @!p0 $0xAB, s11;
	_ =	sdelay $0x1  }
0x71: {  	s12 =	sshrl.u32 @!p0 s12, $0x9  }
0x72: {  	s14 =	smul.u32 @!p0 $0xAB, s10;
	s12 =	sand.u32 @!p0 $0x7F, s12  }
0x73: {  	s13 =	smul.u32 @!p0 $0x3, s12  }
0x74: {  	s12 =	sand.u32 $0x1, s10  }
0x75: {  	s14 =	sshrl.u32 @!p0 s14, $0x9;
	p1 =	sne.s32 @!p0 s12, $0x0;
	s13 =	ssub.s32 @!p0 s11, s13  }
0x76: {  	s14 =	sand.u32 @!p0 $0x7F, s14;
	p1 =	por p1, p0;
	s13 =	sand.u32 @!p0 $0xFF, s13  }
0x77: {  	s14 =	smul.u32 @!p0 $0x3, s14;
	s15 =	sadd.s32 @!p1 $0x4, s13  }
0x78: {  	_ =	swait.ge @!p1 [sflag:s15], $0x100  }
0x79: {  	s14 =	ssub.s32 @!p0 s10, s14;
	[sflag:s15] =	ssyncset.done @!p1 $0x0  }
0x7a: {  	s17 =	sshll.u32 @!p0 s12, $0x7;
	s14 =	sand.u32 @!p0 $0xFF, s14;
	[sflag:s15] =	ssyncadd.s32 @!p1 $0xFFFFFF00  }
0x7b: {  	s16 =	smul.u32 @!p0 $0x5000, s14;
	s13 =	sshll.u32 @!p0 s13, $0x8;
	_ =	swait.ge @!p1 [sflag:s15], $0x100  }
0x7c: {  	s14 =	sadd.s32 @!p0 $0x1, s14;
	s13 =	sor.u32 @!p0 s17, s13;
	[sflag:s15] =	ssyncset.done @!p1 $0x0  }
0x7d: {  	s16 =	sshrl.u32 @!p0 s16, $0x2;
	s13 =	sadd.s32 @!p0 $0x13C00, s13;
	[sflag:s15] =	ssyncadd.s32 @!p1 $0xFFFFFF00  }
0x7e: {  	s15 =	sor.u32 @!p0 $0x14200, s16;
	s16 =	simm.s32 @!p0 $0x28;
	p1 =	slt.u32 @!p0 s10, $0x2  }
0x7f: {  	[tilespmem:s15], [sflag:s14] =	stream.indirect.gather @!p0 [hbm4b:s1+s16], $0x80, s13, s16, $0xb8;
	[tilespmem:$0x17E00] =	vst v63  }
0x80: {  	p0 =	por p0, !p1  }
0x81: {  	s13 =	sadd.s32 @p0 $0xFFFFFFFE, s10  }
0x82: {  	s14 =	sshrl.u32 @p0 s13, $0x1;
	s15 =	sand.u32 @p0 $0xFF, s13  }
0x83: {  	s16 =	sand.u32 @p0 $0xFF, s14;
	s15 =	smul.u32 @p0 $0xAB, s15  }
0x84: {  	s16 =	smul.u32 @p0 $0xAB, s16  }
0x85: {  	s15 =	sshrl.u32 @p0 s15, $0x9  }
0x86: {  	s16 =	sshrl.u32 @p0 s16, $0x9;
	s15 =	smul.u32 @p0 $0x3, s15  }
0x87: {  	s16 =	smul.u32 @p0 $0x3, s16  }
0x88: {  	s13 =	ssub.s32 @p0 s13, s15  }
0x89: {  	s14 =	ssub.s32 @p0 s14, s16;
	s13 =	sand.u32 @p0 $0xFF, s13  }
0x8a: {  	s14 =	sand.u32 @p0 $0xFF, s14;
	s15 =	smul.u32 @p0 $0x5000, s13;
	s13 =	sadd.s32 @p0 $0x1, s13  }
0x8b: {  	s16 =	sand.u32 @p0 $0x80, s8;
	_ =	swait.ge @p0 [sflag:s13], $0x1400;
	s14 =	sshll.u32 @p0 s14, $0x8  }
0x8c: {  	s14 =	sor.u32 @p0 s16, s14;
	s15 =	sshrl.u32 @p0 s15, $0x2;
	[sflag:s13] =	ssyncset.done @p0 $0x0  }
0x8d: {  	s15 =	sor.u32 @p0 $0x14200, s15;
	[sflag:s13] =	ssyncadd.s32 @p0 $0xFFFFEC00;
	s13 =	sadd.s32 @p0 $0x13F00, s14  }
0x8e: {  	[spmem:s3] =	stream.indirect.scatter.add.f32 @p0 [tilespmem:s15], [sflag:$0x7], $0x80, s13, s2, $0xb8;
	[tilespmem:$0x17E00] =	vst v63  }
0x8f: {  	_ =	swait.ge @p0 [sflag:s31], $0x1400  }
0x90: {  	p6 =	sgt.u32 s10, $0xF5;
	p5 =	seq.s32 s12, $0x1;
	[sflag:s31] =	ssyncset.done @p0 $0x0  }
0x91: {  	[sflag:s31] =	ssyncadd.s32 @p0 $0xFFFFEC00;
	p0 =	por !p5, p6  }
0x92: {  	s11 =	sadd.s32 @!p0 $0x2, s11  }
0x93: {  	s12 =	smul.u32 @!p0 $0xAB, s11;
	_ =	sdelay $0x1  }
0x94: {  	s12 =	sshrl.u32 @!p0 s12, $0x9  }
0x95: {  	s12 =	sand.u32 @!p0 $0x7F, s12  }
0x96: {  	s12 =	smul.u32 @!p0 $0x3, s12;
	_ =	sdelay $0x1  }
0x97: {  	s12 =	ssub.s32 @!p0 s11, s12;
	s11 =	sshll.u32 @!p0 s11, $0x8  }
0x98: {  	s12 =	sand.u32 @!p0 $0xFF, s12;
	s11 =	sadd.s32 @!p0 s11, s6  }
0x99: {  	s13 =	sor.u32 @!p0 $0x4, s12;
	s12 =	sshll.u32 @!p0 s12, $0x8;
	s11 =	sshrl.u32 @!p0 s11, $0x3  }
0x9a: {  	s15 =	simm.s32 @!p0 $0x0;
	s14 =	sor.u32 @!p0 $0x13C00, s12;
	s11 =	sadd.s32 @!p0 s5, s11  }
0x9b: {  	[tilespmem:s14], [sflag:s13] =	stream.linear.gather @!p0 [hbm4b:s11+s15], $0x100, $0x38;
	[tilespmem:$0x17E00] =	vst v63  }
0x9c: {  	s10 =	sadd.s32 $0x1, s10;
	s12 =	sadd.s32 @!p0 $0x13F00, s12;
	s11 =	sadd.s32 @!p0 $0x1F400, s11  }
0x9d: {  	[tilespmem:s12], [sflag:s13] =	stream.linear.gather @!p0 [hbm4b:s11+s15], $0x100, $0x38;
	[tilespmem:$0x17E00] =	vst v63  }
0x9e: {  	p0 =	sne.s32 s10, $0xFC  }
.Ltmp1:
0x9f: {  	_ = 	snop;
	(pc) =	sbr.rel @p0 .LBB2_4-.Ltmp1, $2  }
0xa0: {  	_ =	sdelay $0x2  }
0xa1: {  	s8 =	sadd.s32 $0x80, s8  }
0xa2: {  	s8 =	stileid.u32  }
0xa3: {  	[bflag:$0x0] =	sbarrier.arrive $0xFFFF;
	s8 =	sshll.u32 s8, $0x6  }
0xa4: {  	s10 =	sshrl.u32 s7, $0x3;
	s11 =	rddreg [dreg:$0x5];
	s8 =	sor.u32 $0x1C07, s8  }
0xa5: {  	[hbm:s11], [sflag:s8] =	dma.local [spmem:s10], $0x2780  }
0xa6: {  	_ =	swait.ge [sflag:s31], $0x2780  }
0xa7: {  	s0 =	sadd.s32 $0x1, s0;
	s17 =	rddreg [dreg:$0x6]  }
0xa8: {  	p0 =	sne.s32 s0, s17  }
.Ltmp2:
0xa9: {  	_ = 	snop;
	(pc) =	sbr.rel @p0 .LBB2_1-.Ltmp2, $3  }
0xaa: {  	_ =	sdelay $0x1  }
0xab: {  	[sflag:s31] =	ssyncset.done $0x0  }
0xac: {  	[sflag:s31] =	ssyncadd.s32 $0xFFFFD880  }
0xad: {  	_ =	sfence.sel $0x180000  }
0xae: {  	[bflag:$0x0] =	sbarrier.arrive $0xFFFF  }
0xaf: {  	_ =	strace $0x90000047  }
0xb0: {  	s0 =	stileid.u32;
	[bflag:$0x2] =	sbarrier.arrive $0xFFFF  }
0xb1: {  	p0 =	sne.s32 s0, $0x0;
	s0 =	rddreg [dreg:$0x3]  }
0xb2: {  	s0 =	sadd.s32 @!p0 $0x100000, s0  }
0xb3: {  	[sflag:s0] =	ssyncadd.tile.s32 @!p0 $0x1;
	_ =	shalt  }
.Lfunc_end2:
_tile_overlayer_lowered:
.L_overlay_start_2:
0xb4: {  	(tag) =	ssettag $0x2  }
0xb5: {  	s0 =	rddreg [dreg:$0x0];
	s2 =	stileid.u32  }
0xb6: {  	s1 =	rddreg [dreg:$0x1];
	p0 =	sne.s32 s2, $0x0  }
0xb7: {  	s3 =	rddreg [dreg:$0x2];
	[bflag:$0x3] =	sbarrier.arrive $0xFFFF;
	s2 =	simm.s32 @!p0 $0x1C07  }
0xb8: {  	[timem:s3], [sflag:s2] =	dma.local @!p0 [hbm:s0], s1  }
0xb9: {  	s0 =	simm.s32 @!p0 $0x7  }
0xba: {  	_ =	swait.ge @!p0 [sflag:s0], s1  }
0xbb: {  	s1 =	ssub.s32 @!p0 $0x0, s1;
	[sflag:s0] =	ssyncset.done @!p0 $0x0  }
0xbc: {  	[sflag:s0] =	ssyncadd.s32 @!p0 s1  }
0xbd: {  	[bflag:$0x3] =	sbarrier.arrive $0xFFFF  }
0xbe: {  	_ =	shalt  }

</sc_bundles>
